<compile_context>
chip_gen: v7x
topology: tpu7x:2x2x1
jax: 0.10.2.dev20260603
libtpu: 0.0.44.dev20260713+nightly
codegen_flags: <defaults>
</compile_context>

<pallas_src>
import functools

import jax
import jax.numpy as jnp
from jax import lax
from jax.experimental import pallas as pl
from jax.experimental.pallas import tpu as pltpu
from jax.experimental.pallas import tpu_sc as plsc

N = 1_000_000
B = 100_000
NC = 2
NS = 16
NW = NC * NS
L = 16

C_BASE = 31_248
C_TAIL = N - (NW - 1) * C_BASE
C_PAD = 31_328
CHUNK = 10_000
NCHUNKS = B // CHUNK
NBUF = 4
VREGS = CHUNK // L
UNROLL = 5
TAIL_VREGS = VREGS % UNROLL
ZUNROLL = 11


def _make_kernel():
  mesh = plsc.VectorSubcoreMesh(core_axis_name="c", subcore_axis_name="s")

  @functools.partial(
      pl.kernel,
      out_type=jax.ShapeDtypeStruct((N,), jnp.int32),
      mesh=mesh,
      scratch_types=[
          [pltpu.VMEM((CHUNK,), jnp.int32)] * NBUF,
          pltpu.VMEM((C_PAD,), jnp.int32),
          [pltpu.SemaphoreType.DMA] * NBUF,
      ],
      compiler_params=pltpu.CompilerParams(needs_layout_passes=False),
  )
  def idx_map_kernel(idx_hbm, out_hbm, idx_bufs, out_v, sems):
    wid = lax.axis_index("s") * NC + lax.axis_index("c")
    lo = wid * C_BASE
    is_last = wid == NW - 1
    size = jnp.where(is_last, jnp.int32(C_TAIL), jnp.int32(C_BASE)).astype(
        jnp.uint32)
    iota = lax.iota(jnp.int32, L)
    zvec = jnp.zeros((L,), jnp.int32)

    def start_copy(k):
      pltpu.async_copy(
          idx_hbm.at[pl.ds(k * CHUNK, CHUNK)], idx_bufs[k % NBUF],
          sems[k % NBUF])

    def wait_copy(k):
      pltpu.make_async_copy(
          idx_hbm.at[pl.ds(k * CHUNK, CHUNK)], idx_bufs[k % NBUF],
          sems[k % NBUF]).wait()

    for k in range(NBUF - 1):
      start_copy(k)

    def zero_body(g, carry):
      for j in range(ZUNROLL):
        out_v[pl.ds((g * ZUNROLL + j) * L, L)] = zvec
      return carry

    lax.fori_loop(0, C_PAD // (ZUNROLL * L), zero_body, 0, unroll=False)

    def group(buf, vals, g, nv):
      locs, vgroup, masks = [], [], []
      for j in range(nv):
        ids = buf[pl.ds((g * UNROLL + j) * L, L)]
        loc = ids - lo
        m = loc.astype(jnp.uint32) < size
        locs.append(loc)
        vgroup.append(vals)
        masks.append(m)
        vals = vals + L
      for j in range(nv):
        plsc.store_scatter(out_v, [locs[j]], vgroup[j], mask=masks[j])
      return vals

    def process(k):
      buf = idx_bufs[k % NBUF]
      base = k * CHUNK

      def vbody(g, vals):
        return group(buf, vals, g, UNROLL)

      vals = lax.fori_loop(
          0, VREGS // UNROLL, vbody, iota + base, unroll=False)
      if TAIL_VREGS:
        group(buf, vals, VREGS // UNROLL, TAIL_VREGS)

    for k in range(NCHUNKS):
      wait_copy(k)
      if k + NBUF - 1 < NCHUNKS:
        start_copy(k + NBUF - 1)
      process(k)

    pltpu.sync_copy(out_v.at[pl.ds(0, C_BASE)], out_hbm.at[pl.ds(lo, C_BASE)])

    @pl.when(is_last)
    def _():
      pltpu.sync_copy(
          out_v.at[pl.ds(C_BASE, C_TAIL - C_BASE)],
          out_hbm.at[pl.ds(N - (C_TAIL - C_BASE), C_TAIL - C_BASE)],
      )

  return idx_map_kernel


_KERNEL = _make_kernel()


def kernel(X, row_missing_idx):
  del X
  return _KERNEL(row_missing_idx.astype(jnp.int32))

# --- scband reference (transcript-rebuilt; emitter-appended) ---
"""Pipeline reference for scband-make-dict-idx-map-5634997092788 (READ-ONLY COPY).

The authoritative reference and input builder live on the scoring server;
editing this copy changes nothing except your own understanding.
"""

import jax, jax.numpy as jnp
import numpy as np


def setup_inputs(seed: int = 0) -> dict:
    key = jax.random.key(seed)
    k1, k2 = jax.random.split(key)
    X = jax.random.normal(k1, (1000000, 32), dtype=jnp.float32)
    row_missing_idx = jax.random.randint(k2, (100000,), 0, 1000000, dtype=jnp.int64 if jax.config.jax_enable_x64 else jnp.int32)
    return {"X": X, "row_missing_idx": row_missing_idx}


def reference(X, row_missing_idx):
    # dist_idx_map = zeros(N, dtype=int); dist_idx_map[row_missing_idx] = arange(B)
    dist_idx_map = jnp.zeros(X.shape[0], dtype=jnp.int32)
    dist_idx_map = dist_idx_map.at[row_missing_idx].set(
        jnp.arange(row_missing_idx.shape[0], dtype=jnp.int32)
    )
    return dist_idx_map

if __name__ == "__main__":
    import jax
    _d = setup_inputs()
    print(jax.jit(kernel)(*tuple(_d.values())))

</pallas_src>

<mosaic_0001>
#map = affine_map<(d0, d1) -> (0)>
module attributes {stable_mosaic.version = 14 : i64} {
  func.func @idx_map_kernel(%arg0: i32, %arg1: i32, %arg2: memref<100000xi32, #tpu.memory_space<hbm>>, %arg3: memref<1000000xi32, #tpu.memory_space<hbm>>, %arg4: memref<10000xi32, #tpu.memory_space<vmem>>, %arg5: memref<10000xi32, #tpu.memory_space<vmem>>, %arg6: memref<10000xi32, #tpu.memory_space<vmem>>, %arg7: memref<10000xi32, #tpu.memory_space<vmem>>, %arg8: memref<31328xi32, #tpu.memory_space<vmem>>, %arg9: memref<!tpu.dma_semaphore, #tpu.memory_space<semaphore_mem>>, %arg10: memref<!tpu.dma_semaphore, #tpu.memory_space<semaphore_mem>>, %arg11: memref<!tpu.dma_semaphore, #tpu.memory_space<semaphore_mem>>, %arg12: memref<!tpu.dma_semaphore, #tpu.memory_space<semaphore_mem>>) attributes {dimension_semantics = [#tpu.dimension_semantics<core_parallel>, #tpu.dimension_semantics<subcore_parallel>], iteration_bounds = array<i64: 2, 16>, scalar_prefetch = 0 : i64, scratch_operands = 9 : i64, tpu.core_type = #tpu.core_type<sc_vector_subcore>, window_params = [{transform_indices = #map}, {transform_indices = #map}]} {
    %mul3A = arith.constant 2 : i32
    %mul3A_0 = arith.muli %arg1, %mul3A : i32
    %add3A = arith.addi %mul3A_0, %arg0 : i32
    %mul3A_1 = arith.constant 31248 : i32
    %mul3A_2 = arith.muli %add3A, %mul3A_1 : i32
    %eq3A = arith.constant 31 : i32
    %eq3A_3 = arith.cmpi eq, %add3A, %eq3A : i32
    %jit3A = arith.constant 31312 : i32
    %jit3A_4 = arith.constant 31248 : i32
    %select_n3A = arith.select %eq3A_3, %jit3A, %jit3A_4 : i32
    %iota3A = tpu.iota {dimensions = array<i32: 0>} : vector<16xi32>
    %broadcast_in_dim3A = arith.constant 0 : i32
    %broadcast_in_dim3A_5 = vector.broadcast %broadcast_in_dim3A : i32 to vector<16xi32>
    %dma_start3A = arith.constant 0 : i32
    %dma_start3A_6 = tpu.memref_slice %arg2[%dma_start3A] : memref<100000xi32, #tpu.memory_space<hbm>> -> memref<10000xi32, #tpu.memory_space<hbm>>
    %dma_start3A_7 = arith.constant 0 : i32
    %dma_start3A_8 = tpu.memref_slice %arg2[%dma_start3A_7] : memref<100000xi32, #tpu.memory_space<hbm>> -> memref<10000xi32, #tpu.memory_space<hbm>>
    tpu.enqueue_dma source(%dma_start3A_8 : memref<10000xi32, #tpu.memory_space<hbm>>) target(%arg4 : memref<10000xi32, #tpu.memory_space<vmem>>) target_semaphore(%arg9 : memref<!tpu.dma_semaphore, #tpu.memory_space<semaphore_mem>>)
    %dma_start3A_9 = arith.constant 10000 : i32
    %dma_start3A_10 = tpu.memref_slice %arg2[%dma_start3A_9] : memref<100000xi32, #tpu.memory_space<hbm>> -> memref<10000xi32, #tpu.memory_space<hbm>>
    %dma_start3A_11 = arith.constant 10000 : i32
    %dma_start3A_12 = tpu.memref_slice %arg2[%dma_start3A_11] : memref<100000xi32, #tpu.memory_space<hbm>> -> memref<10000xi32, #tpu.memory_space<hbm>>
    tpu.enqueue_dma source(%dma_start3A_12 : memref<10000xi32, #tpu.memory_space<hbm>>) target(%arg5 : memref<10000xi32, #tpu.memory_space<vmem>>) target_semaphore(%arg10 : memref<!tpu.dma_semaphore, #tpu.memory_space<semaphore_mem>>)
    %dma_start3A_13 = arith.constant 20000 : i32
    %dma_start3A_14 = tpu.memref_slice %arg2[%dma_start3A_13] : memref<100000xi32, #tpu.memory_space<hbm>> -> memref<10000xi32, #tpu.memory_space<hbm>>
    %dma_start3A_15 = arith.constant 20000 : i32
    %dma_start3A_16 = tpu.memref_slice %arg2[%dma_start3A_15] : memref<100000xi32, #tpu.memory_space<hbm>> -> memref<10000xi32, #tpu.memory_space<hbm>>
    tpu.enqueue_dma source(%dma_start3A_16 : memref<10000xi32, #tpu.memory_space<hbm>>) target(%arg6 : memref<10000xi32, #tpu.memory_space<vmem>>) target_semaphore(%arg11 : memref<!tpu.dma_semaphore, #tpu.memory_space<semaphore_mem>>)
    %scan3A = arith.constant 0 : i32
    %scan3A_17 = arith.constant 0 : i32
    %scan3A_18 = arith.constant 178 : i32
    %scan3A_19 = arith.addi %scan3A_17, %scan3A_18 : i32
    %scan3A_20 = arith.constant 1 : i32
    scf.for %scan3A_180 = %scan3A_17 to %scan3A_19 step %scan3A_20  : i32 {
      %mul3A_181 = arith.constant 11 : i32
      %mul3A_182 = arith.muli %scan3A_180, %mul3A_181 : i32
      %add3A_183 = arith.constant 0 : i32
      %add3A_184 = arith.addi %mul3A_182, %add3A_183 : i32
      %mul3A_185 = arith.constant 16 : i32
      %mul3A_186 = arith.muli %add3A_184, %mul3A_185 : i32
      %swap3A = arith.index_cast %mul3A_186 : i32 to index
      %swap3A_187 = tpu.vector_load %arg8[%swap3A] {strides = array<i32>} : memref<31328xi32, #tpu.memory_space<vmem>>, vector<16xi32>,
      tpu.vector_store %arg8[%swap3A], %broadcast_in_dim3A_5 {strides = array<i32>} : memref<31328xi32, #tpu.memory_space<vmem>>, vector<16xi32>,
      %mul3A_188 = arith.constant 11 : i32
      %mul3A_189 = arith.muli %scan3A_180, %mul3A_188 : i32
      %add3A_190 = arith.constant 1 : i32
      %add3A_191 = arith.addi %mul3A_189, %add3A_190 : i32
      %mul3A_192 = arith.constant 16 : i32
      %mul3A_193 = arith.muli %add3A_191, %mul3A_192 : i32
      %swap3A_194 = arith.index_cast %mul3A_193 : i32 to index
      %swap3A_195 = tpu.vector_load %arg8[%swap3A_194] {strides = array<i32>} : memref<31328xi32, #tpu.memory_space<vmem>>, vector<16xi32>,
      tpu.vector_store %arg8[%swap3A_194], %broadcast_in_dim3A_5 {strides = array<i32>} : memref<31328xi32, #tpu.memory_space<vmem>>, vector<16xi32>,
      %mul3A_196 = arith.constant 11 : i32
      %mul3A_197 = arith.muli %scan3A_180, %mul3A_196 : i32
      %add3A_198 = arith.constant 2 : i32
      %add3A_199 = arith.addi %mul3A_197, %add3A_198 : i32
      %mul3A_200 = arith.constant 16 : i32
      %mul3A_201 = arith.muli %add3A_199, %mul3A_200 : i32
      %swap3A_202 = arith.index_cast %mul3A_201 : i32 to index
      %swap3A_203 = tpu.vector_load %arg8[%swap3A_202] {strides = array<i32>} : memref<31328xi32, #tpu.memory_space<vmem>>, vector<16xi32>,
      tpu.vector_store %arg8[%swap3A_202], %broadcast_in_dim3A_5 {strides = array<i32>} : memref<31328xi32, #tpu.memory_space<vmem>>, vector<16xi32>,
      %mul3A_204 = arith.constant 11 : i32
      %mul3A_205 = arith.muli %scan3A_180, %mul3A_204 : i32
      %add3A_206 = arith.constant 3 : i32
      %add3A_207 = arith.addi %mul3A_205, %add3A_206 : i32
      %mul3A_208 = arith.constant 16 : i32
      %mul3A_209 = arith.muli %add3A_207, %mul3A_208 : i32
      %swap3A_210 = arith.index_cast %mul3A_209 : i32 to index
      %swap3A_211 = tpu.vector_load %arg8[%swap3A_210] {strides = array<i32>} : memref<31328xi32, #tpu.memory_space<vmem>>, vector<16xi32>,
      tpu.vector_store %arg8[%swap3A_210], %broadcast_in_dim3A_5 {strides = array<i32>} : memref<31328xi32, #tpu.memory_space<vmem>>, vector<16xi32>,
      %mul3A_212 = arith.constant 11 : i32
      %mul3A_213 = arith.muli %scan3A_180, %mul3A_212 : i32
      %add3A_214 = arith.constant 4 : i32
      %add3A_215 = arith.addi %mul3A_213, %add3A_214 : i32
      %mul3A_216 = arith.constant 16 : i32
      %mul3A_217 = arith.muli %add3A_215, %mul3A_216 : i32
      %swap3A_218 = arith.index_cast %mul3A_217 : i32 to index
      %swap3A_219 = tpu.vector_load %arg8[%swap3A_218] {strides = array<i32>} : memref<31328xi32, #tpu.memory_space<vmem>>, vector<16xi32>,
      tpu.vector_store %arg8[%swap3A_218], %broadcast_in_dim3A_5 {strides = array<i32>} : memref<31328xi32, #tpu.memory_space<vmem>>, vector<16xi32>,
      %mul3A_220 = arith.constant 11 : i32
      %mul3A_221 = arith.muli %scan3A_180, %mul3A_220 : i32
      %add3A_222 = arith.constant 5 : i32
      %add3A_223 = arith.addi %mul3A_221, %add3A_222 : i32
      %mul3A_224 = arith.constant 16 : i32
      %mul3A_225 = arith.muli %add3A_223, %mul3A_224 : i32
      %swap3A_226 = arith.index_cast %mul3A_225 : i32 to index
      %swap3A_227 = tpu.vector_load %arg8[%swap3A_226] {strides = array<i32>} : memref<31328xi32, #tpu.memory_space<vmem>>, vector<16xi32>,
      tpu.vector_store %arg8[%swap3A_226], %broadcast_in_dim3A_5 {strides = array<i32>} : memref<31328xi32, #tpu.memory_space<vmem>>, vector<16xi32>,
      %mul3A_228 = arith.constant 11 : i32
      %mul3A_229 = arith.muli %scan3A_180, %mul3A_228 : i32
      %add3A_230 = arith.constant 6 : i32
      %add3A_231 = arith.addi %mul3A_229, %add3A_230 : i32
      %mul3A_232 = arith.constant 16 : i32
      %mul3A_233 = arith.muli %add3A_231, %mul3A_232 : i32
      %swap3A_234 = arith.index_cast %mul3A_233 : i32 to index
      %swap3A_235 = tpu.vector_load %arg8[%swap3A_234] {strides = array<i32>} : memref<31328xi32, #tpu.memory_space<vmem>>, vector<16xi32>,
      tpu.vector_store %arg8[%swap3A_234], %broadcast_in_dim3A_5 {strides = array<i32>} : memref<31328xi32, #tpu.memory_space<vmem>>, vector<16xi32>,
      %mul3A_236 = arith.constant 11 : i32
      %mul3A_237 = arith.muli %scan3A_180, %mul3A_236 : i32
      %add3A_238 = arith.constant 7 : i32
      %add3A_239 = arith.addi %mul3A_237, %add3A_238 : i32
      %mul3A_240 = arith.constant 16 : i32
      %mul3A_241 = arith.muli %add3A_239, %mul3A_240 : i32
      %swap3A_242 = arith.index_cast %mul3A_241 : i32 to index
      %swap3A_243 = tpu.vector_load %arg8[%swap3A_242] {strides = array<i32>} : memref<31328xi32, #tpu.memory_space<vmem>>, vector<16xi32>,
      tpu.vector_store %arg8[%swap3A_242], %broadcast_in_dim3A_5 {strides = array<i32>} : memref<31328xi32, #tpu.memory_space<vmem>>, vector<16xi32>,
      %mul3A_244 = arith.constant 11 : i32
      %mul3A_245 = arith.muli %scan3A_180, %mul3A_244 : i32
      %add3A_246 = arith.constant 8 : i32
      %add3A_247 = arith.addi %mul3A_245, %add3A_246 : i32
      %mul3A_248 = arith.constant 16 : i32
      %mul3A_249 = arith.muli %add3A_247, %mul3A_248 : i32
      %swap3A_250 = arith.index_cast %mul3A_249 : i32 to index
      %swap3A_251 = tpu.vector_load %arg8[%swap3A_250] {strides = array<i32>} : memref<31328xi32, #tpu.memory_space<vmem>>, vector<16xi32>,
      tpu.vector_store %arg8[%swap3A_250], %broadcast_in_dim3A_5 {strides = array<i32>} : memref<31328xi32, #tpu.memory_space<vmem>>, vector<16xi32>,
      %mul3A_252 = arith.constant 11 : i32
      %mul3A_253 = arith.muli %scan3A_180, %mul3A_252 : i32
      %add3A_254 = arith.constant 9 : i32
      %add3A_255 = arith.addi %mul3A_253, %add3A_254 : i32
      %mul3A_256 = arith.constant 16 : i32
      %mul3A_257 = arith.muli %add3A_255, %mul3A_256 : i32
      %swap3A_258 = arith.index_cast %mul3A_257 : i32 to index
      %swap3A_259 = tpu.vector_load %arg8[%swap3A_258] {strides = array<i32>} : memref<31328xi32, #tpu.memory_space<vmem>>, vector<16xi32>,
      tpu.vector_store %arg8[%swap3A_258], %broadcast_in_dim3A_5 {strides = array<i32>} : memref<31328xi32, #tpu.memory_space<vmem>>, vector<16xi32>,
      %mul3A_260 = arith.constant 11 : i32
      %mul3A_261 = arith.muli %scan3A_180, %mul3A_260 : i32
      %add3A_262 = arith.constant 10 : i32
      %add3A_263 = arith.addi %mul3A_261, %add3A_262 : i32
      %mul3A_264 = arith.constant 16 : i32
      %mul3A_265 = arith.muli %add3A_263, %mul3A_264 : i32
      %swap3A_266 = arith.index_cast %mul3A_265 : i32 to index
      %swap3A_267 = tpu.vector_load %arg8[%swap3A_266] {strides = array<i32>} : memref<31328xi32, #tpu.memory_space<vmem>>, vector<16xi32>,
      tpu.vector_store %arg8[%swap3A_266], %broadcast_in_dim3A_5 {strides = array<i32>} : memref<31328xi32, #tpu.memory_space<vmem>>, vector<16xi32>,
    }
    %scan3A_21 = arith.constant 178 : i32
    %dma_wait3A = arith.constant 0 : i32
    %dma_wait3A_22 = tpu.memref_slice %arg2[%dma_wait3A] : memref<100000xi32, #tpu.memory_space<hbm>> -> memref<10000xi32, #tpu.memory_space<hbm>>
    %dma_wait3A_23 = arith.constant 0 : i32
    %dma_wait3A_24 = tpu.memref_slice %arg2[%dma_wait3A_23] : memref<100000xi32, #tpu.memory_space<hbm>> -> memref<10000xi32, #tpu.memory_space<hbm>>
    tpu.wait_dma2 semaphore(%arg9 : memref<!tpu.dma_semaphore, #tpu.memory_space<semaphore_mem>>) src(%dma_wait3A_24 : memref<10000xi32, #tpu.memory_space<hbm>>) dst(%arg4 : memref<10000xi32, #tpu.memory_space<vmem>>)
    %dma_start3A_25 = arith.constant 30000 : i32
    %dma_start3A_26 = tpu.memref_slice %arg2[%dma_start3A_25] : memref<100000xi32, #tpu.memory_space<hbm>> -> memref<10000xi32, #tpu.memory_space<hbm>>
    %dma_start3A_27 = arith.constant 30000 : i32
    %dma_start3A_28 = tpu.memref_slice %arg2[%dma_start3A_27] : memref<100000xi32, #tpu.memory_space<hbm>> -> memref<10000xi32, #tpu.memory_space<hbm>>
    tpu.enqueue_dma source(%dma_start3A_28 : memref<10000xi32, #tpu.memory_space<hbm>>) target(%arg7 : memref<10000xi32, #tpu.memory_space<vmem>>) target_semaphore(%arg12 : memref<!tpu.dma_semaphore, #tpu.memory_space<semaphore_mem>>)
    %add3A_29 = arith.constant 0 : i32
    %add3A_30 = vector.broadcast %add3A_29 : i32 to vector<16xi32>
    %add3A_31 = arith.addi %iota3A, %add3A_30 : vector<16xi32>
    %scan3A_32 = arith.constant 0 : i32
    %scan3A_33 = arith.constant 125 : i32
    %scan3A_34 = arith.addi %scan3A_32, %scan3A_33 : i32
    %scan3A_35 = arith.constant 1 : i32
    %scan3A_36 = scf.for %scan3A_180 = %scan3A_32 to %scan3A_34 step %scan3A_35 iter_args(%scan3A_181 = %add3A_31) -> (vector<16xi32>)  : i32 {
      %mul3A_182 = arith.constant 5 : i32
      %mul3A_183 = arith.muli %scan3A_180, %mul3A_182 : i32
      %add3A_184 = arith.constant 0 : i32
      %add3A_185 = arith.addi %mul3A_183, %add3A_184 : i32
      %mul3A_186 = arith.constant 16 : i32
      %mul3A_187 = arith.muli %add3A_185, %mul3A_186 : i32
      %get3A = arith.index_cast %mul3A_187 : i32 to index
      %get3A_188 = tpu.vector_load %arg4[%get3A] {strides = array<i32>} : memref<10000xi32, #tpu.memory_space<vmem>>, vector<16xi32>,
      %sub3A = vector.broadcast %mul3A_2 : i32 to vector<16xi32>
      %sub3A_189 = arith.subi %get3A_188, %sub3A : vector<16xi32>
      %lt3A = vector.broadcast %select_n3A : i32 to vector<16xi32>
      %lt3A_190 = arith.cmpi ult, %sub3A_189, %lt3A : vector<16xi32>
      %add3A_191 = arith.constant 16 : i32
      %add3A_192 = vector.broadcast %add3A_191 : i32 to vector<16xi32>
      %add3A_193 = arith.addi %scan3A_181, %add3A_192 : vector<16xi32>
      %mul3A_194 = arith.constant 5 : i32
      %mul3A_195 = arith.muli %scan3A_180, %mul3A_194 : i32
      %add3A_196 = arith.constant 1 : i32
      %add3A_197 = arith.addi %mul3A_195, %add3A_196 : i32
      %mul3A_198 = arith.constant 16 : i32
      %mul3A_199 = arith.muli %add3A_197, %mul3A_198 : i32
      %get3A_200 = arith.index_cast %mul3A_199 : i32 to index
      %get3A_201 = tpu.vector_load %arg4[%get3A_200] {strides = array<i32>} : memref<10000xi32, #tpu.memory_space<vmem>>, vector<16xi32>,
      %sub3A_202 = vector.broadcast %mul3A_2 : i32 to vector<16xi32>
      %sub3A_203 = arith.subi %get3A_201, %sub3A_202 : vector<16xi32>
      %lt3A_204 = vector.broadcast %select_n3A : i32 to vector<16xi32>
      %lt3A_205 = arith.cmpi ult, %sub3A_203, %lt3A_204 : vector<16xi32>
      %add3A_206 = arith.constant 16 : i32
      %add3A_207 = vector.broadcast %add3A_206 : i32 to vector<16xi32>
      %add3A_208 = arith.addi %add3A_193, %add3A_207 : vector<16xi32>
      %mul3A_209 = arith.constant 5 : i32
      %mul3A_210 = arith.muli %scan3A_180, %mul3A_209 : i32
      %add3A_211 = arith.constant 2 : i32
      %add3A_212 = arith.addi %mul3A_210, %add3A_211 : i32
      %mul3A_213 = arith.constant 16 : i32
      %mul3A_214 = arith.muli %add3A_212, %mul3A_213 : i32
      %get3A_215 = arith.index_cast %mul3A_214 : i32 to index
      %get3A_216 = tpu.vector_load %arg4[%get3A_215] {strides = array<i32>} : memref<10000xi32, #tpu.memory_space<vmem>>, vector<16xi32>,
      %sub3A_217 = vector.broadcast %mul3A_2 : i32 to vector<16xi32>
      %sub3A_218 = arith.subi %get3A_216, %sub3A_217 : vector<16xi32>
      %lt3A_219 = vector.broadcast %select_n3A : i32 to vector<16xi32>
      %lt3A_220 = arith.cmpi ult, %sub3A_218, %lt3A_219 : vector<16xi32>
      %add3A_221 = arith.constant 16 : i32
      %add3A_222 = vector.broadcast %add3A_221 : i32 to vector<16xi32>
      %add3A_223 = arith.addi %add3A_208, %add3A_222 : vector<16xi32>
      %mul3A_224 = arith.constant 5 : i32
      %mul3A_225 = arith.muli %scan3A_180, %mul3A_224 : i32
      %add3A_226 = arith.constant 3 : i32
      %add3A_227 = arith.addi %mul3A_225, %add3A_226 : i32
      %mul3A_228 = arith.constant 16 : i32
      %mul3A_229 = arith.muli %add3A_227, %mul3A_228 : i32
      %get3A_230 = arith.index_cast %mul3A_229 : i32 to index
      %get3A_231 = tpu.vector_load %arg4[%get3A_230] {strides = array<i32>} : memref<10000xi32, #tpu.memory_space<vmem>>, vector<16xi32>,
      %sub3A_232 = vector.broadcast %mul3A_2 : i32 to vector<16xi32>
      %sub3A_233 = arith.subi %get3A_231, %sub3A_232 : vector<16xi32>
      %lt3A_234 = vector.broadcast %select_n3A : i32 to vector<16xi32>
      %lt3A_235 = arith.cmpi ult, %sub3A_233, %lt3A_234 : vector<16xi32>
      %add3A_236 = arith.constant 16 : i32
      %add3A_237 = vector.broadcast %add3A_236 : i32 to vector<16xi32>
      %add3A_238 = arith.addi %add3A_223, %add3A_237 : vector<16xi32>
      %mul3A_239 = arith.constant 5 : i32
      %mul3A_240 = arith.muli %scan3A_180, %mul3A_239 : i32
      %add3A_241 = arith.constant 4 : i32
      %add3A_242 = arith.addi %mul3A_240, %add3A_241 : i32
      %mul3A_243 = arith.constant 16 : i32
      %mul3A_244 = arith.muli %add3A_242, %mul3A_243 : i32
      %get3A_245 = arith.index_cast %mul3A_244 : i32 to index
      %get3A_246 = tpu.vector_load %arg4[%get3A_245] {strides = array<i32>} : memref<10000xi32, #tpu.memory_space<vmem>>, vector<16xi32>,
      %sub3A_247 = vector.broadcast %mul3A_2 : i32 to vector<16xi32>
      %sub3A_248 = arith.subi %get3A_246, %sub3A_247 : vector<16xi32>
      %lt3A_249 = vector.broadcast %select_n3A : i32 to vector<16xi32>
      %lt3A_250 = arith.cmpi ult, %sub3A_248, %lt3A_249 : vector<16xi32>
      %add3A_251 = arith.constant 16 : i32
      %add3A_252 = vector.broadcast %add3A_251 : i32 to vector<16xi32>
      %add3A_253 = arith.addi %add3A_238, %add3A_252 : vector<16xi32>
      tpu.vector_store_idx %arg8[%sub3A_189], %scan3A_181 masked %lt3A_190 : memref<31328xi32, #tpu.memory_space<vmem>>[vector<16xi32>], vector<16xi32>, vector<16xi1>
      tpu.vector_store_idx %arg8[%sub3A_203], %add3A_193 masked %lt3A_205 : memref<31328xi32, #tpu.memory_space<vmem>>[vector<16xi32>], vector<16xi32>, vector<16xi1>
      tpu.vector_store_idx %arg8[%sub3A_218], %add3A_208 masked %lt3A_220 : memref<31328xi32, #tpu.memory_space<vmem>>[vector<16xi32>], vector<16xi32>, vector<16xi1>
      tpu.vector_store_idx %arg8[%sub3A_233], %add3A_223 masked %lt3A_235 : memref<31328xi32, #tpu.memory_space<vmem>>[vector<16xi32>], vector<16xi32>, vector<16xi1>
      tpu.vector_store_idx %arg8[%sub3A_248], %add3A_238 masked %lt3A_250 : memref<31328xi32, #tpu.memory_space<vmem>>[vector<16xi32>], vector<16xi32>, vector<16xi1>
      scf.yield %add3A_253 : vector<16xi32>
    }
    %scan3A_37 = arith.constant 125 : i32
    %dma_wait3A_38 = arith.constant 10000 : i32
    %dma_wait3A_39 = tpu.memref_slice %arg2[%dma_wait3A_38] : memref<100000xi32, #tpu.memory_space<hbm>> -> memref<10000xi32, #tpu.memory_space<hbm>>
    %dma_wait3A_40 = arith.constant 10000 : i32
    %dma_wait3A_41 = tpu.memref_slice %arg2[%dma_wait3A_40] : memref<100000xi32, #tpu.memory_space<hbm>> -> memref<10000xi32, #tpu.memory_space<hbm>>
    tpu.wait_dma2 semaphore(%arg10 : memref<!tpu.dma_semaphore, #tpu.memory_space<semaphore_mem>>) src(%dma_wait3A_41 : memref<10000xi32, #tpu.memory_space<hbm>>) dst(%arg5 : memref<10000xi32, #tpu.memory_space<vmem>>)
    %dma_start3A_42 = arith.constant 40000 : i32
    %dma_start3A_43 = tpu.memref_slice %arg2[%dma_start3A_42] : memref<100000xi32, #tpu.memory_space<hbm>> -> memref<10000xi32, #tpu.memory_space<hbm>>
    %dma_start3A_44 = arith.constant 40000 : i32
    %dma_start3A_45 = tpu.memref_slice %arg2[%dma_start3A_44] : memref<100000xi32, #tpu.memory_space<hbm>> -> memref<10000xi32, #tpu.memory_space<hbm>>
    tpu.enqueue_dma source(%dma_start3A_45 : memref<10000xi32, #tpu.memory_space<hbm>>) target(%arg4 : memref<10000xi32, #tpu.memory_space<vmem>>) target_semaphore(%arg9 : memref<!tpu.dma_semaphore, #tpu.memory_space<semaphore_mem>>)
    %add3A_46 = arith.constant 10000 : i32
    %add3A_47 = vector.broadcast %add3A_46 : i32 to vector<16xi32>
    %add3A_48 = arith.addi %iota3A, %add3A_47 : vector<16xi32>
    %scan3A_49 = arith.constant 0 : i32
    %scan3A_50 = arith.constant 125 : i32
    %scan3A_51 = arith.addi %scan3A_49, %scan3A_50 : i32
    %scan3A_52 = arith.constant 1 : i32
    %scan3A_53 = scf.for %scan3A_180 = %scan3A_49 to %scan3A_51 step %scan3A_52 iter_args(%scan3A_181 = %add3A_48) -> (vector<16xi32>)  : i32 {
      %mul3A_182 = arith.constant 5 : i32
      %mul3A_183 = arith.muli %scan3A_180, %mul3A_182 : i32
      %add3A_184 = arith.constant 0 : i32
      %add3A_185 = arith.addi %mul3A_183, %add3A_184 : i32
      %mul3A_186 = arith.constant 16 : i32
      %mul3A_187 = arith.muli %add3A_185, %mul3A_186 : i32
      %get3A = arith.index_cast %mul3A_187 : i32 to index
      %get3A_188 = tpu.vector_load %arg5[%get3A] {strides = array<i32>} : memref<10000xi32, #tpu.memory_space<vmem>>, vector<16xi32>,
      %sub3A = vector.broadcast %mul3A_2 : i32 to vector<16xi32>
      %sub3A_189 = arith.subi %get3A_188, %sub3A : vector<16xi32>
      %lt3A = vector.broadcast %select_n3A : i32 to vector<16xi32>
      %lt3A_190 = arith.cmpi ult, %sub3A_189, %lt3A : vector<16xi32>
      %add3A_191 = arith.constant 16 : i32
      %add3A_192 = vector.broadcast %add3A_191 : i32 to vector<16xi32>
      %add3A_193 = arith.addi %scan3A_181, %add3A_192 : vector<16xi32>
      %mul3A_194 = arith.constant 5 : i32
      %mul3A_195 = arith.muli %scan3A_180, %mul3A_194 : i32
      %add3A_196 = arith.constant 1 : i32
      %add3A_197 = arith.addi %mul3A_195, %add3A_196 : i32
      %mul3A_198 = arith.constant 16 : i32
      %mul3A_199 = arith.muli %add3A_197, %mul3A_198 : i32
      %get3A_200 = arith.index_cast %mul3A_199 : i32 to index
      %get3A_201 = tpu.vector_load %arg5[%get3A_200] {strides = array<i32>} : memref<10000xi32, #tpu.memory_space<vmem>>, vector<16xi32>,
      %sub3A_202 = vector.broadcast %mul3A_2 : i32 to vector<16xi32>
      %sub3A_203 = arith.subi %get3A_201, %sub3A_202 : vector<16xi32>
      %lt3A_204 = vector.broadcast %select_n3A : i32 to vector<16xi32>
      %lt3A_205 = arith.cmpi ult, %sub3A_203, %lt3A_204 : vector<16xi32>
      %add3A_206 = arith.constant 16 : i32
      %add3A_207 = vector.broadcast %add3A_206 : i32 to vector<16xi32>
      %add3A_208 = arith.addi %add3A_193, %add3A_207 : vector<16xi32>
      %mul3A_209 = arith.constant 5 : i32
      %mul3A_210 = arith.muli %scan3A_180, %mul3A_209 : i32
      %add3A_211 = arith.constant 2 : i32
      %add3A_212 = arith.addi %mul3A_210, %add3A_211 : i32
      %mul3A_213 = arith.constant 16 : i32
      %mul3A_214 = arith.muli %add3A_212, %mul3A_213 : i32
      %get3A_215 = arith.index_cast %mul3A_214 : i32 to index
      %get3A_216 = tpu.vector_load %arg5[%get3A_215] {strides = array<i32>} : memref<10000xi32, #tpu.memory_space<vmem>>, vector<16xi32>,
      %sub3A_217 = vector.broadcast %mul3A_2 : i32 to vector<16xi32>
      %sub3A_218 = arith.subi %get3A_216, %sub3A_217 : vector<16xi32>
      %lt3A_219 = vector.broadcast %select_n3A : i32 to vector<16xi32>
      %lt3A_220 = arith.cmpi ult, %sub3A_218, %lt3A_219 : vector<16xi32>
      %add3A_221 = arith.constant 16 : i32
      %add3A_222 = vector.broadcast %add3A_221 : i32 to vector<16xi32>
      %add3A_223 = arith.addi %add3A_208, %add3A_222 : vector<16xi32>
      %mul3A_224 = arith.constant 5 : i32
      %mul3A_225 = arith.muli %scan3A_180, %mul3A_224 : i32
      %add3A_226 = arith.constant 3 : i32
      %add3A_227 = arith.addi %mul3A_225, %add3A_226 : i32
      %mul3A_228 = arith.constant 16 : i32
      %mul3A_229 = arith.muli %add3A_227, %mul3A_228 : i32
      %get3A_230 = arith.index_cast %mul3A_229 : i32 to index
      %get3A_231 = tpu.vector_load %arg5[%get3A_230] {strides = array<i32>} : memref<10000xi32, #tpu.memory_space<vmem>>, vector<16xi32>,
      %sub3A_232 = vector.broadcast %mul3A_2 : i32 to vector<16xi32>
      %sub3A_233 = arith.subi %get3A_231, %sub3A_232 : vector<16xi32>
      %lt3A_234 = vector.broadcast %select_n3A : i32 to vector<16xi32>
      %lt3A_235 = arith.cmpi ult, %sub3A_233, %lt3A_234 : vector<16xi32>
      %add3A_236 = arith.constant 16 : i32
      %add3A_237 = vector.broadcast %add3A_236 : i32 to vector<16xi32>
      %add3A_238 = arith.addi %add3A_223, %add3A_237 : vector<16xi32>
      %mul3A_239 = arith.constant 5 : i32
      %mul3A_240 = arith.muli %scan3A_180, %mul3A_239 : i32
      %add3A_241 = arith.constant 4 : i32
      %add3A_242 = arith.addi %mul3A_240, %add3A_241 : i32
      %mul3A_243 = arith.constant 16 : i32
      %mul3A_244 = arith.muli %add3A_242, %mul3A_243 : i32
      %get3A_245 = arith.index_cast %mul3A_244 : i32 to index
      %get3A_246 = tpu.vector_load %arg5[%get3A_245] {strides = array<i32>} : memref<10000xi32, #tpu.memory_space<vmem>>, vector<16xi32>,
      %sub3A_247 = vector.broadcast %mul3A_2 : i32 to vector<16xi32>
      %sub3A_248 = arith.subi %get3A_246, %sub3A_247 : vector<16xi32>
      %lt3A_249 = vector.broadcast %select_n3A : i32 to vector<16xi32>
      %lt3A_250 = arith.cmpi ult, %sub3A_248, %lt3A_249 : vector<16xi32>
      %add3A_251 = arith.constant 16 : i32
      %add3A_252 = vector.broadcast %add3A_251 : i32 to vector<16xi32>
      %add3A_253 = arith.addi %add3A_238, %add3A_252 : vector<16xi32>
      tpu.vector_store_idx %arg8[%sub3A_189], %scan3A_181 masked %lt3A_190 : memref<31328xi32, #tpu.memory_space<vmem>>[vector<16xi32>], vector<16xi32>, vector<16xi1>
      tpu.vector_store_idx %arg8[%sub3A_203], %add3A_193 masked %lt3A_205 : memref<31328xi32, #tpu.memory_space<vmem>>[vector<16xi32>], vector<16xi32>, vector<16xi1>
      tpu.vector_store_idx %arg8[%sub3A_218], %add3A_208 masked %lt3A_220 : memref<31328xi32, #tpu.memory_space<vmem>>[vector<16xi32>], vector<16xi32>, vector<16xi1>
      tpu.vector_store_idx %arg8[%sub3A_233], %add3A_223 masked %lt3A_235 : memref<31328xi32, #tpu.memory_space<vmem>>[vector<16xi32>], vector<16xi32>, vector<16xi1>
      tpu.vector_store_idx %arg8[%sub3A_248], %add3A_238 masked %lt3A_250 : memref<31328xi32, #tpu.memory_space<vmem>>[vector<16xi32>], vector<16xi32>, vector<16xi1>
      scf.yield %add3A_253 : vector<16xi32>
    }
    %scan3A_54 = arith.constant 125 : i32
    %dma_wait3A_55 = arith.constant 20000 : i32
    %dma_wait3A_56 = tpu.memref_slice %arg2[%dma_wait3A_55] : memref<100000xi32, #tpu.memory_space<hbm>> -> memref<10000xi32, #tpu.memory_space<hbm>>
    %dma_wait3A_57 = arith.constant 20000 : i32
    %dma_wait3A_58 = tpu.memref_slice %arg2[%dma_wait3A_57] : memref<100000xi32, #tpu.memory_space<hbm>> -> memref<10000xi32, #tpu.memory_space<hbm>>
    tpu.wait_dma2 semaphore(%arg11 : memref<!tpu.dma_semaphore, #tpu.memory_space<semaphore_mem>>) src(%dma_wait3A_58 : memref<10000xi32, #tpu.memory_space<hbm>>) dst(%arg6 : memref<10000xi32, #tpu.memory_space<vmem>>)
    %dma_start3A_59 = arith.constant 50000 : i32
    %dma_start3A_60 = tpu.memref_slice %arg2[%dma_start3A_59] : memref<100000xi32, #tpu.memory_space<hbm>> -> memref<10000xi32, #tpu.memory_space<hbm>>
    %dma_start3A_61 = arith.constant 50000 : i32
    %dma_start3A_62 = tpu.memref_slice %arg2[%dma_start3A_61] : memref<100000xi32, #tpu.memory_space<hbm>> -> memref<10000xi32, #tpu.memory_space<hbm>>
    tpu.enqueue_dma source(%dma_start3A_62 : memref<10000xi32, #tpu.memory_space<hbm>>) target(%arg5 : memref<10000xi32, #tpu.memory_space<vmem>>) target_semaphore(%arg10 : memref<!tpu.dma_semaphore, #tpu.memory_space<semaphore_mem>>)
    %add3A_63 = arith.constant 20000 : i32
    %add3A_64 = vector.broadcast %add3A_63 : i32 to vector<16xi32>
    %add3A_65 = arith.addi %iota3A, %add3A_64 : vector<16xi32>
    %scan3A_66 = arith.constant 0 : i32
    %scan3A_67 = arith.constant 125 : i32
    %scan3A_68 = arith.addi %scan3A_66, %scan3A_67 : i32
    %scan3A_69 = arith.constant 1 : i32
    %scan3A_70 = scf.for %scan3A_180 = %scan3A_66 to %scan3A_68 step %scan3A_69 iter_args(%scan3A_181 = %add3A_65) -> (vector<16xi32>)  : i32 {
      %mul3A_182 = arith.constant 5 : i32
      %mul3A_183 = arith.muli %scan3A_180, %mul3A_182 : i32
      %add3A_184 = arith.constant 0 : i32
      %add3A_185 = arith.addi %mul3A_183, %add3A_184 : i32
      %mul3A_186 = arith.constant 16 : i32
      %mul3A_187 = arith.muli %add3A_185, %mul3A_186 : i32
      %get3A = arith.index_cast %mul3A_187 : i32 to index
      %get3A_188 = tpu.vector_load %arg6[%get3A] {strides = array<i32>} : memref<10000xi32, #tpu.memory_space<vmem>>, vector<16xi32>,
      %sub3A = vector.broadcast %mul3A_2 : i32 to vector<16xi32>
      %sub3A_189 = arith.subi %get3A_188, %sub3A : vector<16xi32>
      %lt3A = vector.broadcast %select_n3A : i32 to vector<16xi32>
      %lt3A_190 = arith.cmpi ult, %sub3A_189, %lt3A : vector<16xi32>
      %add3A_191 = arith.constant 16 : i32
      %add3A_192 = vector.broadcast %add3A_191 : i32 to vector<16xi32>
      %add3A_193 = arith.addi %scan3A_181, %add3A_192 : vector<16xi32>
      %mul3A_194 = arith.constant 5 : i32
      %mul3A_195 = arith.muli %scan3A_180, %mul3A_194 : i32
      %add3A_196 = arith.constant 1 : i32
      %add3A_197 = arith.addi %mul3A_195, %add3A_196 : i32
      %mul3A_198 = arith.constant 16 : i32
      %mul3A_199 = arith.muli %add3A_197, %mul3A_198 : i32
      %get3A_200 = arith.index_cast %mul3A_199 : i32 to index
      %get3A_201 = tpu.vector_load %arg6[%get3A_200] {strides = array<i32>} : memref<10000xi32, #tpu.memory_space<vmem>>, vector<16xi32>,
      %sub3A_202 = vector.broadcast %mul3A_2 : i32 to vector<16xi32>
      %sub3A_203 = arith.subi %get3A_201, %sub3A_202 : vector<16xi32>
      %lt3A_204 = vector.broadcast %select_n3A : i32 to vector<16xi32>
      %lt3A_205 = arith.cmpi ult, %sub3A_203, %lt3A_204 : vector<16xi32>
      %add3A_206 = arith.constant 16 : i32
      %add3A_207 = vector.broadcast %add3A_206 : i32 to vector<16xi32>
      %add3A_208 = arith.addi %add3A_193, %add3A_207 : vector<16xi32>
      %mul3A_209 = arith.constant 5 : i32
      %mul3A_210 = arith.muli %scan3A_180, %mul3A_209 : i32
      %add3A_211 = arith.constant 2 : i32
      %add3A_212 = arith.addi %mul3A_210, %add3A_211 : i32
      %mul3A_213 = arith.constant 16 : i32
      %mul3A_214 = arith.muli %add3A_212, %mul3A_213 : i32
      %get3A_215 = arith.index_cast %mul3A_214 : i32 to index
      %get3A_216 = tpu.vector_load %arg6[%get3A_215] {strides = array<i32>} : memref<10000xi32, #tpu.memory_space<vmem>>, vector<16xi32>,
      %sub3A_217 = vector.broadcast %mul3A_2 : i32 to vector<16xi32>
      %sub3A_218 = arith.subi %get3A_216, %sub3A_217 : vector<16xi32>
      %lt3A_219 = vector.broadcast %select_n3A : i32 to vector<16xi32>
      %lt3A_220 = arith.cmpi ult, %sub3A_218, %lt3A_219 : vector<16xi32>
      %add3A_221 = arith.constant 16 : i32
      %add3A_222 = vector.broadcast %add3A_221 : i32 to vector<16xi32>
      %add3A_223 = arith.addi %add3A_208, %add3A_222 : vector<16xi32>
      %mul3A_224 = arith.constant 5 : i32
      %mul3A_225 = arith.muli %scan3A_180, %mul3A_224 : i32
      %add3A_226 = arith.constant 3 : i32
      %add3A_227 = arith.addi %mul3A_225, %add3A_226 : i32
      %mul3A_228 = arith.constant 16 : i32
      %mul3A_229 = arith.muli %add3A_227, %mul3A_228 : i32
      %get3A_230 = arith.index_cast %mul3A_229 : i32 to index
      %get3A_231 = tpu.vector_load %arg6[%get3A_230] {strides = array<i32>} : memref<10000xi32, #tpu.memory_space<vmem>>, vector<16xi32>,
      %sub3A_232 = vector.broadcast %mul3A_2 : i32 to vector<16xi32>
      %sub3A_233 = arith.subi %get3A_231, %sub3A_232 : vector<16xi32>
      %lt3A_234 = vector.broadcast %select_n3A : i32 to vector<16xi32>
      %lt3A_235 = arith.cmpi ult, %sub3A_233, %lt3A_234 : vector<16xi32>
      %add3A_236 = arith.constant 16 : i32
      %add3A_237 = vector.broadcast %add3A_236 : i32 to vector<16xi32>
      %add3A_238 = arith.addi %add3A_223, %add3A_237 : vector<16xi32>
      %mul3A_239 = arith.constant 5 : i32
      %mul3A_240 = arith.muli %scan3A_180, %mul3A_239 : i32
      %add3A_241 = arith.constant 4 : i32
      %add3A_242 = arith.addi %mul3A_240, %add3A_241 : i32
      %mul3A_243 = arith.constant 16 : i32
      %mul3A_244 = arith.muli %add3A_242, %mul3A_243 : i32
      %get3A_245 = arith.index_cast %mul3A_244 : i32 to index
      %get3A_246 = tpu.vector_load %arg6[%get3A_245] {strides = array<i32>} : memref<10000xi32, #tpu.memory_space<vmem>>, vector<16xi32>,
      %sub3A_247 = vector.broadcast %mul3A_2 : i32 to vector<16xi32>
      %sub3A_248 = arith.subi %get3A_246, %sub3A_247 : vector<16xi32>
      %lt3A_249 = vector.broadcast %select_n3A : i32 to vector<16xi32>
      %lt3A_250 = arith.cmpi ult, %sub3A_248, %lt3A_249 : vector<16xi32>
      %add3A_251 = arith.constant 16 : i32
      %add3A_252 = vector.broadcast %add3A_251 : i32 to vector<16xi32>
      %add3A_253 = arith.addi %add3A_238, %add3A_252 : vector<16xi32>
      tpu.vector_store_idx %arg8[%sub3A_189], %scan3A_181 masked %lt3A_190 : memref<31328xi32, #tpu.memory_space<vmem>>[vector<16xi32>], vector<16xi32>, vector<16xi1>
      tpu.vector_store_idx %arg8[%sub3A_203], %add3A_193 masked %lt3A_205 : memref<31328xi32, #tpu.memory_space<vmem>>[vector<16xi32>], vector<16xi32>, vector<16xi1>
      tpu.vector_store_idx %arg8[%sub3A_218], %add3A_208 masked %lt3A_220 : memref<31328xi32, #tpu.memory_space<vmem>>[vector<16xi32>], vector<16xi32>, vector<16xi1>
      tpu.vector_store_idx %arg8[%sub3A_233], %add3A_223 masked %lt3A_235 : memref<31328xi32, #tpu.memory_space<vmem>>[vector<16xi32>], vector<16xi32>, vector<16xi1>
      tpu.vector_store_idx %arg8[%sub3A_248], %add3A_238 masked %lt3A_250 : memref<31328xi32, #tpu.memory_space<vmem>>[vector<16xi32>], vector<16xi32>, vector<16xi1>
      scf.yield %add3A_253 : vector<16xi32>
    }
    %scan3A_71 = arith.constant 125 : i32
    %dma_wait3A_72 = arith.constant 30000 : i32
    %dma_wait3A_73 = tpu.memref_slice %arg2[%dma_wait3A_72] : memref<100000xi32, #tpu.memory_space<hbm>> -> memref<10000xi32, #tpu.memory_space<hbm>>
    %dma_wait3A_74 = arith.constant 30000 : i32
    %dma_wait3A_75 = tpu.memref_slice %arg2[%dma_wait3A_74] : memref<100000xi32, #tpu.memory_space<hbm>> -> memref<10000xi32, #tpu.memory_space<hbm>>
    tpu.wait_dma2 semaphore(%arg12 : memref<!tpu.dma_semaphore, #tpu.memory_space<semaphore_mem>>) src(%dma_wait3A_75 : memref<10000xi32, #tpu.memory_space<hbm>>) dst(%arg7 : memref<10000xi32, #tpu.memory_space<vmem>>)
    %dma_start3A_76 = arith.constant 60000 : i32
    %dma_start3A_77 = tpu.memref_slice %arg2[%dma_start3A_76] : memref<100000xi32, #tpu.memory_space<hbm>> -> memref<10000xi32, #tpu.memory_space<hbm>>
    %dma_start3A_78 = arith.constant 60000 : i32
    %dma_start3A_79 = tpu.memref_slice %arg2[%dma_start3A_78] : memref<100000xi32, #tpu.memory_space<hbm>> -> memref<10000xi32, #tpu.memory_space<hbm>>
    tpu.enqueue_dma source(%dma_start3A_79 : memref<10000xi32, #tpu.memory_space<hbm>>) target(%arg6 : memref<10000xi32, #tpu.memory_space<vmem>>) target_semaphore(%arg11 : memref<!tpu.dma_semaphore, #tpu.memory_space<semaphore_mem>>)
    %add3A_80 = arith.constant 30000 : i32
    %add3A_81 = vector.broadcast %add3A_80 : i32 to vector<16xi32>
    %add3A_82 = arith.addi %iota3A, %add3A_81 : vector<16xi32>
    %scan3A_83 = arith.constant 0 : i32
    %scan3A_84 = arith.constant 125 : i32
    %scan3A_85 = arith.addi %scan3A_83, %scan3A_84 : i32
    %scan3A_86 = arith.constant 1 : i32
    %scan3A_87 = scf.for %scan3A_180 = %scan3A_83 to %scan3A_85 step %scan3A_86 iter_args(%scan3A_181 = %add3A_82) -> (vector<16xi32>)  : i32 {
      %mul3A_182 = arith.constant 5 : i32
      %mul3A_183 = arith.muli %scan3A_180, %mul3A_182 : i32
      %add3A_184 = arith.constant 0 : i32
      %add3A_185 = arith.addi %mul3A_183, %add3A_184 : i32
      %mul3A_186 = arith.constant 16 : i32
      %mul3A_187 = arith.muli %add3A_185, %mul3A_186 : i32
      %get3A = arith.index_cast %mul3A_187 : i32 to index
      %get3A_188 = tpu.vector_load %arg7[%get3A] {strides = array<i32>} : memref<10000xi32, #tpu.memory_space<vmem>>, vector<16xi32>,
      %sub3A = vector.broadcast %mul3A_2 : i32 to vector<16xi32>
      %sub3A_189 = arith.subi %get3A_188, %sub3A : vector<16xi32>
      %lt3A = vector.broadcast %select_n3A : i32 to vector<16xi32>
      %lt3A_190 = arith.cmpi ult, %sub3A_189, %lt3A : vector<16xi32>
      %add3A_191 = arith.constant 16 : i32
      %add3A_192 = vector.broadcast %add3A_191 : i32 to vector<16xi32>
      %add3A_193 = arith.addi %scan3A_181, %add3A_192 : vector<16xi32>
      %mul3A_194 = arith.constant 5 : i32
      %mul3A_195 = arith.muli %scan3A_180, %mul3A_194 : i32
      %add3A_196 = arith.constant 1 : i32
      %add3A_197 = arith.addi %mul3A_195, %add3A_196 : i32
      %mul3A_198 = arith.constant 16 : i32
      %mul3A_199 = arith.muli %add3A_197, %mul3A_198 : i32
      %get3A_200 = arith.index_cast %mul3A_199 : i32 to index
      %get3A_201 = tpu.vector_load %arg7[%get3A_200] {strides = array<i32>} : memref<10000xi32, #tpu.memory_space<vmem>>, vector<16xi32>,
      %sub3A_202 = vector.broadcast %mul3A_2 : i32 to vector<16xi32>
      %sub3A_203 = arith.subi %get3A_201, %sub3A_202 : vector<16xi32>
      %lt3A_204 = vector.broadcast %select_n3A : i32 to vector<16xi32>
      %lt3A_205 = arith.cmpi ult, %sub3A_203, %lt3A_204 : vector<16xi32>
      %add3A_206 = arith.constant 16 : i32
      %add3A_207 = vector.broadcast %add3A_206 : i32 to vector<16xi32>
      %add3A_208 = arith.addi %add3A_193, %add3A_207 : vector<16xi32>
      %mul3A_209 = arith.constant 5 : i32
      %mul3A_210 = arith.muli %scan3A_180, %mul3A_209 : i32
      %add3A_211 = arith.constant 2 : i32
      %add3A_212 = arith.addi %mul3A_210, %add3A_211 : i32
      %mul3A_213 = arith.constant 16 : i32
      %mul3A_214 = arith.muli %add3A_212, %mul3A_213 : i32
      %get3A_215 = arith.index_cast %mul3A_214 : i32 to index
      %get3A_216 = tpu.vector_load %arg7[%get3A_215] {strides = array<i32>} : memref<10000xi32, #tpu.memory_space<vmem>>, vector<16xi32>,
      %sub3A_217 = vector.broadcast %mul3A_2 : i32 to vector<16xi32>
      %sub3A_218 = arith.subi %get3A_216, %sub3A_217 : vector<16xi32>
      %lt3A_219 = vector.broadcast %select_n3A : i32 to vector<16xi32>
      %lt3A_220 = arith.cmpi ult, %sub3A_218, %lt3A_219 : vector<16xi32>
      %add3A_221 = arith.constant 16 : i32
      %add3A_222 = vector.broadcast %add3A_221 : i32 to vector<16xi32>
      %add3A_223 = arith.addi %add3A_208, %add3A_222 : vector<16xi32>
      %mul3A_224 = arith.constant 5 : i32
      %mul3A_225 = arith.muli %scan3A_180, %mul3A_224 : i32
      %add3A_226 = arith.constant 3 : i32
      %add3A_227 = arith.addi %mul3A_225, %add3A_226 : i32
      %mul3A_228 = arith.constant 16 : i32
      %mul3A_229 = arith.muli %add3A_227, %mul3A_228 : i32
      %get3A_230 = arith.index_cast %mul3A_229 : i32 to index
      %get3A_231 = tpu.vector_load %arg7[%get3A_230] {strides = array<i32>} : memref<10000xi32, #tpu.memory_space<vmem>>, vector<16xi32>,
      %sub3A_232 = vector.broadcast %mul3A_2 : i32 to vector<16xi32>
      %sub3A_233 = arith.subi %get3A_231, %sub3A_232 : vector<16xi32>
      %lt3A_234 = vector.broadcast %select_n3A : i32 to vector<16xi32>
      %lt3A_235 = arith.cmpi ult, %sub3A_233, %lt3A_234 : vector<16xi32>
      %add3A_236 = arith.constant 16 : i32
      %add3A_237 = vector.broadcast %add3A_236 : i32 to vector<16xi32>
      %add3A_238 = arith.addi %add3A_223, %add3A_237 : vector<16xi32>
      %mul3A_239 = arith.constant 5 : i32
      %mul3A_240 = arith.muli %scan3A_180, %mul3A_239 : i32
      %add3A_241 = arith.constant 4 : i32
      %add3A_242 = arith.addi %mul3A_240, %add3A_241 : i32
      %mul3A_243 = arith.constant 16 : i32
      %mul3A_244 = arith.muli %add3A_242, %mul3A_243 : i32
      %get3A_245 = arith.index_cast %mul3A_244 : i32 to index
      %get3A_246 = tpu.vector_load %arg7[%get3A_245] {strides = array<i32>} : memref<10000xi32, #tpu.memory_space<vmem>>, vector<16xi32>,
      %sub3A_247 = vector.broadcast %mul3A_2 : i32 to vector<16xi32>
      %sub3A_248 = arith.subi %get3A_246, %sub3A_247 : vector<16xi32>
      %lt3A_249 = vector.broadcast %select_n3A : i32 to vector<16xi32>
      %lt3A_250 = arith.cmpi ult, %sub3A_248, %lt3A_249 : vector<16xi32>
      %add3A_251 = arith.constant 16 : i32
      %add3A_252 = vector.broadcast %add3A_251 : i32 to vector<16xi32>
      %add3A_253 = arith.addi %add3A_238, %add3A_252 : vector<16xi32>
      tpu.vector_store_idx %arg8[%sub3A_189], %scan3A_181 masked %lt3A_190 : memref<31328xi32, #tpu.memory_space<vmem>>[vector<16xi32>], vector<16xi32>, vector<16xi1>
      tpu.vector_store_idx %arg8[%sub3A_203], %add3A_193 masked %lt3A_205 : memref<31328xi32, #tpu.memory_space<vmem>>[vector<16xi32>], vector<16xi32>, vector<16xi1>
      tpu.vector_store_idx %arg8[%sub3A_218], %add3A_208 masked %lt3A_220 : memref<31328xi32, #tpu.memory_space<vmem>>[vector<16xi32>], vector<16xi32>, vector<16xi1>
      tpu.vector_store_idx %arg8[%sub3A_233], %add3A_223 masked %lt3A_235 : memref<31328xi32, #tpu.memory_space<vmem>>[vector<16xi32>], vector<16xi32>, vector<16xi1>
      tpu.vector_store_idx %arg8[%sub3A_248], %add3A_238 masked %lt3A_250 : memref<31328xi32, #tpu.memory_space<vmem>>[vector<16xi32>], vector<16xi32>, vector<16xi1>
      scf.yield %add3A_253 : vector<16xi32>
    }
    %scan3A_88 = arith.constant 125 : i32
    %dma_wait3A_89 = arith.constant 40000 : i32
    %dma_wait3A_90 = tpu.memref_slice %arg2[%dma_wait3A_89] : memref<100000xi32, #tpu.memory_space<hbm>> -> memref<10000xi32, #tpu.memory_space<hbm>>
    %dma_wait3A_91 = arith.constant 40000 : i32
    %dma_wait3A_92 = tpu.memref_slice %arg2[%dma_wait3A_91] : memref<100000xi32, #tpu.memory_space<hbm>> -> memref<10000xi32, #tpu.memory_space<hbm>>
    tpu.wait_dma2 semaphore(%arg9 : memref<!tpu.dma_semaphore, #tpu.memory_space<semaphore_mem>>) src(%dma_wait3A_92 : memref<10000xi32, #tpu.memory_space<hbm>>) dst(%arg4 : memref<10000xi32, #tpu.memory_space<vmem>>)
    %dma_start3A_93 = arith.constant 70000 : i32
    %dma_start3A_94 = tpu.memref_slice %arg2[%dma_start3A_93] : memref<100000xi32, #tpu.memory_space<hbm>> -> memref<10000xi32, #tpu.memory_space<hbm>>
    %dma_start3A_95 = arith.constant 70000 : i32
    %dma_start3A_96 = tpu.memref_slice %arg2[%dma_start3A_95] : memref<100000xi32, #tpu.memory_space<hbm>> -> memref<10000xi32, #tpu.memory_space<hbm>>
    tpu.enqueue_dma source(%dma_start3A_96 : memref<10000xi32, #tpu.memory_space<hbm>>) target(%arg7 : memref<10000xi32, #tpu.memory_space<vmem>>) target_semaphore(%arg12 : memref<!tpu.dma_semaphore, #tpu.memory_space<semaphore_mem>>)
    %add3A_97 = arith.constant 40000 : i32
    %add3A_98 = vector.broadcast %add3A_97 : i32 to vector<16xi32>
    %add3A_99 = arith.addi %iota3A, %add3A_98 : vector<16xi32>
    %scan3A_100 = arith.constant 0 : i32
    %scan3A_101 = arith.constant 125 : i32
    %scan3A_102 = arith.addi %scan3A_100, %scan3A_101 : i32
    %scan3A_103 = arith.constant 1 : i32
    %scan3A_104 = scf.for %scan3A_180 = %scan3A_100 to %scan3A_102 step %scan3A_103 iter_args(%scan3A_181 = %add3A_99) -> (vector<16xi32>)  : i32 {
      %mul3A_182 = arith.constant 5 : i32
      %mul3A_183 = arith.muli %scan3A_180, %mul3A_182 : i32
      %add3A_184 = arith.constant 0 : i32
      %add3A_185 = arith.addi %mul3A_183, %add3A_184 : i32
      %mul3A_186 = arith.constant 16 : i32
      %mul3A_187 = arith.muli %add3A_185, %mul3A_186 : i32
      %get3A = arith.index_cast %mul3A_187 : i32 to index
      %get3A_188 = tpu.vector_load %arg4[%get3A] {strides = array<i32>} : memref<10000xi32, #tpu.memory_space<vmem>>, vector<16xi32>,
      %sub3A = vector.broadcast %mul3A_2 : i32 to vector<16xi32>
      %sub3A_189 = arith.subi %get3A_188, %sub3A : vector<16xi32>
      %lt3A = vector.broadcast %select_n3A : i32 to vector<16xi32>
      %lt3A_190 = arith.cmpi ult, %sub3A_189, %lt3A : vector<16xi32>
      %add3A_191 = arith.constant 16 : i32
      %add3A_192 = vector.broadcast %add3A_191 : i32 to vector<16xi32>
      %add3A_193 = arith.addi %scan3A_181, %add3A_192 : vector<16xi32>
      %mul3A_194 = arith.constant 5 : i32
      %mul3A_195 = arith.muli %scan3A_180, %mul3A_194 : i32
      %add3A_196 = arith.constant 1 : i32
      %add3A_197 = arith.addi %mul3A_195, %add3A_196 : i32
      %mul3A_198 = arith.constant 16 : i32
      %mul3A_199 = arith.muli %add3A_197, %mul3A_198 : i32
      %get3A_200 = arith.index_cast %mul3A_199 : i32 to index
      %get3A_201 = tpu.vector_load %arg4[%get3A_200] {strides = array<i32>} : memref<10000xi32, #tpu.memory_space<vmem>>, vector<16xi32>,
      %sub3A_202 = vector.broadcast %mul3A_2 : i32 to vector<16xi32>
      %sub3A_203 = arith.subi %get3A_201, %sub3A_202 : vector<16xi32>
      %lt3A_204 = vector.broadcast %select_n3A : i32 to vector<16xi32>
      %lt3A_205 = arith.cmpi ult, %sub3A_203, %lt3A_204 : vector<16xi32>
      %add3A_206 = arith.constant 16 : i32
      %add3A_207 = vector.broadcast %add3A_206 : i32 to vector<16xi32>
      %add3A_208 = arith.addi %add3A_193, %add3A_207 : vector<16xi32>
      %mul3A_209 = arith.constant 5 : i32
      %mul3A_210 = arith.muli %scan3A_180, %mul3A_209 : i32
      %add3A_211 = arith.constant 2 : i32
      %add3A_212 = arith.addi %mul3A_210, %add3A_211 : i32
      %mul3A_213 = arith.constant 16 : i32
      %mul3A_214 = arith.muli %add3A_212, %mul3A_213 : i32
      %get3A_215 = arith.index_cast %mul3A_214 : i32 to index
      %get3A_216 = tpu.vector_load %arg4[%get3A_215] {strides = array<i32>} : memref<10000xi32, #tpu.memory_space<vmem>>, vector<16xi32>,
      %sub3A_217 = vector.broadcast %mul3A_2 : i32 to vector<16xi32>
      %sub3A_218 = arith.subi %get3A_216, %sub3A_217 : vector<16xi32>
      %lt3A_219 = vector.broadcast %select_n3A : i32 to vector<16xi32>
      %lt3A_220 = arith.cmpi ult, %sub3A_218, %lt3A_219 : vector<16xi32>
      %add3A_221 = arith.constant 16 : i32
      %add3A_222 = vector.broadcast %add3A_221 : i32 to vector<16xi32>
      %add3A_223 = arith.addi %add3A_208, %add3A_222 : vector<16xi32>
      %mul3A_224 = arith.constant 5 : i32
      %mul3A_225 = arith.muli %scan3A_180, %mul3A_224 : i32
      %add3A_226 = arith.constant 3 : i32
      %add3A_227 = arith.addi %mul3A_225, %add3A_226 : i32
      %mul3A_228 = arith.constant 16 : i32
      %mul3A_229 = arith.muli %add3A_227, %mul3A_228 : i32
      %get3A_230 = arith.index_cast %mul3A_229 : i32 to index
      %get3A_231 = tpu.vector_load %arg4[%get3A_230] {strides = array<i32>} : memref<10000xi32, #tpu.memory_space<vmem>>, vector<16xi32>,
      %sub3A_232 = vector.broadcast %mul3A_2 : i32 to vector<16xi32>
      %sub3A_233 = arith.subi %get3A_231, %sub3A_232 : vector<16xi32>
      %lt3A_234 = vector.broadcast %select_n3A : i32 to vector<16xi32>
      %lt3A_235 = arith.cmpi ult, %sub3A_233, %lt3A_234 : vector<16xi32>
      %add3A_236 = arith.constant 16 : i32
      %add3A_237 = vector.broadcast %add3A_236 : i32 to vector<16xi32>
      %add3A_238 = arith.addi %add3A_223, %add3A_237 : vector<16xi32>
      %mul3A_239 = arith.constant 5 : i32
      %mul3A_240 = arith.muli %scan3A_180, %mul3A_239 : i32
      %add3A_241 = arith.constant 4 : i32
      %add3A_242 = arith.addi %mul3A_240, %add3A_241 : i32
      %mul3A_243 = arith.constant 16 : i32
      %mul3A_244 = arith.muli %add3A_242, %mul3A_243 : i32
      %get3A_245 = arith.index_cast %mul3A_244 : i32 to index
      %get3A_246 = tpu.vector_load %arg4[%get3A_245] {strides = array<i32>} : memref<10000xi32, #tpu.memory_space<vmem>>, vector<16xi32>,
      %sub3A_247 = vector.broadcast %mul3A_2 : i32 to vector<16xi32>
      %sub3A_248 = arith.subi %get3A_246, %sub3A_247 : vector<16xi32>
      %lt3A_249 = vector.broadcast %select_n3A : i32 to vector<16xi32>
      %lt3A_250 = arith.cmpi ult, %sub3A_248, %lt3A_249 : vector<16xi32>
      %add3A_251 = arith.constant 16 : i32
      %add3A_252 = vector.broadcast %add3A_251 : i32 to vector<16xi32>
      %add3A_253 = arith.addi %add3A_238, %add3A_252 : vector<16xi32>
      tpu.vector_store_idx %arg8[%sub3A_189], %scan3A_181 masked %lt3A_190 : memref<31328xi32, #tpu.memory_space<vmem>>[vector<16xi32>], vector<16xi32>, vector<16xi1>
      tpu.vector_store_idx %arg8[%sub3A_203], %add3A_193 masked %lt3A_205 : memref<31328xi32, #tpu.memory_space<vmem>>[vector<16xi32>], vector<16xi32>, vector<16xi1>
      tpu.vector_store_idx %arg8[%sub3A_218], %add3A_208 masked %lt3A_220 : memref<31328xi32, #tpu.memory_space<vmem>>[vector<16xi32>], vector<16xi32>, vector<16xi1>
      tpu.vector_store_idx %arg8[%sub3A_233], %add3A_223 masked %lt3A_235 : memref<31328xi32, #tpu.memory_space<vmem>>[vector<16xi32>], vector<16xi32>, vector<16xi1>
      tpu.vector_store_idx %arg8[%sub3A_248], %add3A_238 masked %lt3A_250 : memref<31328xi32, #tpu.memory_space<vmem>>[vector<16xi32>], vector<16xi32>, vector<16xi1>
      scf.yield %add3A_253 : vector<16xi32>
    }
    %scan3A_105 = arith.constant 125 : i32
    %dma_wait3A_106 = arith.constant 50000 : i32
    %dma_wait3A_107 = tpu.memref_slice %arg2[%dma_wait3A_106] : memref<100000xi32, #tpu.memory_space<hbm>> -> memref<10000xi32, #tpu.memory_space<hbm>>
    %dma_wait3A_108 = arith.constant 50000 : i32
    %dma_wait3A_109 = tpu.memref_slice %arg2[%dma_wait3A_108] : memref<100000xi32, #tpu.memory_space<hbm>> -> memref<10000xi32, #tpu.memory_space<hbm>>
    tpu.wait_dma2 semaphore(%arg10 : memref<!tpu.dma_semaphore, #tpu.memory_space<semaphore_mem>>) src(%dma_wait3A_109 : memref<10000xi32, #tpu.memory_space<hbm>>) dst(%arg5 : memref<10000xi32, #tpu.memory_space<vmem>>)
    %dma_start3A_110 = arith.constant 80000 : i32
    %dma_start3A_111 = tpu.memref_slice %arg2[%dma_start3A_110] : memref<100000xi32, #tpu.memory_space<hbm>> -> memref<10000xi32, #tpu.memory_space<hbm>>
    %dma_start3A_112 = arith.constant 80000 : i32
    %dma_start3A_113 = tpu.memref_slice %arg2[%dma_start3A_112] : memref<100000xi32, #tpu.memory_space<hbm>> -> memref<10000xi32, #tpu.memory_space<hbm>>
    tpu.enqueue_dma source(%dma_start3A_113 : memref<10000xi32, #tpu.memory_space<hbm>>) target(%arg4 : memref<10000xi32, #tpu.memory_space<vmem>>) target_semaphore(%arg9 : memref<!tpu.dma_semaphore, #tpu.memory_space<semaphore_mem>>)
    %add3A_114 = arith.constant 50000 : i32
    %add3A_115 = vector.broadcast %add3A_114 : i32 to vector<16xi32>
    %add3A_116 = arith.addi %iota3A, %add3A_115 : vector<16xi32>
    %scan3A_117 = arith.constant 0 : i32
    %scan3A_118 = arith.constant 125 : i32
    %scan3A_119 = arith.addi %scan3A_117, %scan3A_118 : i32
    %scan3A_120 = arith.constant 1 : i32
    %scan3A_121 = scf.for %scan3A_180 = %scan3A_117 to %scan3A_119 step %scan3A_120 iter_args(%scan3A_181 = %add3A_116) -> (vector<16xi32>)  : i32 {
      %mul3A_182 = arith.constant 5 : i32
      %mul3A_183 = arith.muli %scan3A_180, %mul3A_182 : i32
      %add3A_184 = arith.constant 0 : i32
      %add3A_185 = arith.addi %mul3A_183, %add3A_184 : i32
      %mul3A_186 = arith.constant 16 : i32
      %mul3A_187 = arith.muli %add3A_185, %mul3A_186 : i32
      %get3A = arith.index_cast %mul3A_187 : i32 to index
      %get3A_188 = tpu.vector_load %arg5[%get3A] {strides = array<i32>} : memref<10000xi32, #tpu.memory_space<vmem>>, vector<16xi32>,
      %sub3A = vector.broadcast %mul3A_2 : i32 to vector<16xi32>
      %sub3A_189 = arith.subi %get3A_188, %sub3A : vector<16xi32>
      %lt3A = vector.broadcast %select_n3A : i32 to vector<16xi32>
      %lt3A_190 = arith.cmpi ult, %sub3A_189, %lt3A : vector<16xi32>
      %add3A_191 = arith.constant 16 : i32
      %add3A_192 = vector.broadcast %add3A_191 : i32 to vector<16xi32>
      %add3A_193 = arith.addi %scan3A_181, %add3A_192 : vector<16xi32>
      %mul3A_194 = arith.constant 5 : i32
      %mul3A_195 = arith.muli %scan3A_180, %mul3A_194 : i32
      %add3A_196 = arith.constant 1 : i32
      %add3A_197 = arith.addi %mul3A_195, %add3A_196 : i32
      %mul3A_198 = arith.constant 16 : i32
      %mul3A_199 = arith.muli %add3A_197, %mul3A_198 : i32
      %get3A_200 = arith.index_cast %mul3A_199 : i32 to index
      %get3A_201 = tpu.vector_load %arg5[%get3A_200] {strides = array<i32>} : memref<10000xi32, #tpu.memory_space<vmem>>, vector<16xi32>,
      %sub3A_202 = vector.broadcast %mul3A_2 : i32 to vector<16xi32>
      %sub3A_203 = arith.subi %get3A_201, %sub3A_202 : vector<16xi32>
      %lt3A_204 = vector.broadcast %select_n3A : i32 to vector<16xi32>
      %lt3A_205 = arith.cmpi ult, %sub3A_203, %lt3A_204 : vector<16xi32>
      %add3A_206 = arith.constant 16 : i32
      %add3A_207 = vector.broadcast %add3A_206 : i32 to vector<16xi32>
      %add3A_208 = arith.addi %add3A_193, %add3A_207 : vector<16xi32>
      %mul3A_209 = arith.constant 5 : i32
      %mul3A_210 = arith.muli %scan3A_180, %mul3A_209 : i32
      %add3A_211 = arith.constant 2 : i32
      %add3A_212 = arith.addi %mul3A_210, %add3A_211 : i32
      %mul3A_213 = arith.constant 16 : i32
      %mul3A_214 = arith.muli %add3A_212, %mul3A_213 : i32
      %get3A_215 = arith.index_cast %mul3A_214 : i32 to index
      %get3A_216 = tpu.vector_load %arg5[%get3A_215] {strides = array<i32>} : memref<10000xi32, #tpu.memory_space<vmem>>, vector<16xi32>,
      %sub3A_217 = vector.broadcast %mul3A_2 : i32 to vector<16xi32>
      %sub3A_218 = arith.subi %get3A_216, %sub3A_217 : vector<16xi32>
      %lt3A_219 = vector.broadcast %select_n3A : i32 to vector<16xi32>
      %lt3A_220 = arith.cmpi ult, %sub3A_218, %lt3A_219 : vector<16xi32>
      %add3A_221 = arith.constant 16 : i32
      %add3A_222 = vector.broadcast %add3A_221 : i32 to vector<16xi32>
      %add3A_223 = arith.addi %add3A_208, %add3A_222 : vector<16xi32>
      %mul3A_224 = arith.constant 5 : i32
      %mul3A_225 = arith.muli %scan3A_180, %mul3A_224 : i32
      %add3A_226 = arith.constant 3 : i32
      %add3A_227 = arith.addi %mul3A_225, %add3A_226 : i32
      %mul3A_228 = arith.constant 16 : i32
      %mul3A_229 = arith.muli %add3A_227, %mul3A_228 : i32
      %get3A_230 = arith.index_cast %mul3A_229 : i32 to index
      %get3A_231 = tpu.vector_load %arg5[%get3A_230] {strides = array<i32>} : memref<10000xi32, #tpu.memory_space<vmem>>, vector<16xi32>,
      %sub3A_232 = vector.broadcast %mul3A_2 : i32 to vector<16xi32>
      %sub3A_233 = arith.subi %get3A_231, %sub3A_232 : vector<16xi32>
      %lt3A_234 = vector.broadcast %select_n3A : i32 to vector<16xi32>
      %lt3A_235 = arith.cmpi ult, %sub3A_233, %lt3A_234 : vector<16xi32>
      %add3A_236 = arith.constant 16 : i32
      %add3A_237 = vector.broadcast %add3A_236 : i32 to vector<16xi32>
      %add3A_238 = arith.addi %add3A_223, %add3A_237 : vector<16xi32>
      %mul3A_239 = arith.constant 5 : i32
      %mul3A_240 = arith.muli %scan3A_180, %mul3A_239 : i32
      %add3A_241 = arith.constant 4 : i32
      %add3A_242 = arith.addi %mul3A_240, %add3A_241 : i32
      %mul3A_243 = arith.constant 16 : i32
      %mul3A_244 = arith.muli %add3A_242, %mul3A_243 : i32
      %get3A_245 = arith.index_cast %mul3A_244 : i32 to index
      %get3A_246 = tpu.vector_load %arg5[%get3A_245] {strides = array<i32>} : memref<10000xi32, #tpu.memory_space<vmem>>, vector<16xi32>,
      %sub3A_247 = vector.broadcast %mul3A_2 : i32 to vector<16xi32>
      %sub3A_248 = arith.subi %get3A_246, %sub3A_247 : vector<16xi32>
      %lt3A_249 = vector.broadcast %select_n3A : i32 to vector<16xi32>
      %lt3A_250 = arith.cmpi ult, %sub3A_248, %lt3A_249 : vector<16xi32>
      %add3A_251 = arith.constant 16 : i32
      %add3A_252 = vector.broadcast %add3A_251 : i32 to vector<16xi32>
      %add3A_253 = arith.addi %add3A_238, %add3A_252 : vector<16xi32>
      tpu.vector_store_idx %arg8[%sub3A_189], %scan3A_181 masked %lt3A_190 : memref<31328xi32, #tpu.memory_space<vmem>>[vector<16xi32>], vector<16xi32>, vector<16xi1>
      tpu.vector_store_idx %arg8[%sub3A_203], %add3A_193 masked %lt3A_205 : memref<31328xi32, #tpu.memory_space<vmem>>[vector<16xi32>], vector<16xi32>, vector<16xi1>
      tpu.vector_store_idx %arg8[%sub3A_218], %add3A_208 masked %lt3A_220 : memref<31328xi32, #tpu.memory_space<vmem>>[vector<16xi32>], vector<16xi32>, vector<16xi1>
      tpu.vector_store_idx %arg8[%sub3A_233], %add3A_223 masked %lt3A_235 : memref<31328xi32, #tpu.memory_space<vmem>>[vector<16xi32>], vector<16xi32>, vector<16xi1>
      tpu.vector_store_idx %arg8[%sub3A_248], %add3A_238 masked %lt3A_250 : memref<31328xi32, #tpu.memory_space<vmem>>[vector<16xi32>], vector<16xi32>, vector<16xi1>
      scf.yield %add3A_253 : vector<16xi32>
    }
    %scan3A_122 = arith.constant 125 : i32
    %dma_wait3A_123 = arith.constant 60000 : i32
    %dma_wait3A_124 = tpu.memref_slice %arg2[%dma_wait3A_123] : memref<100000xi32, #tpu.memory_space<hbm>> -> memref<10000xi32, #tpu.memory_space<hbm>>
    %dma_wait3A_125 = arith.constant 60000 : i32
    %dma_wait3A_126 = tpu.memref_slice %arg2[%dma_wait3A_125] : memref<100000xi32, #tpu.memory_space<hbm>> -> memref<10000xi32, #tpu.memory_space<hbm>>
    tpu.wait_dma2 semaphore(%arg11 : memref<!tpu.dma_semaphore, #tpu.memory_space<semaphore_mem>>) src(%dma_wait3A_126 : memref<10000xi32, #tpu.memory_space<hbm>>) dst(%arg6 : memref<10000xi32, #tpu.memory_space<vmem>>)
    %dma_start3A_127 = arith.constant 90000 : i32
    %dma_start3A_128 = tpu.memref_slice %arg2[%dma_start3A_127] : memref<100000xi32, #tpu.memory_space<hbm>> -> memref<10000xi32, #tpu.memory_space<hbm>>
    %dma_start3A_129 = arith.constant 90000 : i32
    %dma_start3A_130 = tpu.memref_slice %arg2[%dma_start3A_129] : memref<100000xi32, #tpu.memory_space<hbm>> -> memref<10000xi32, #tpu.memory_space<hbm>>
    tpu.enqueue_dma source(%dma_start3A_130 : memref<10000xi32, #tpu.memory_space<hbm>>) target(%arg5 : memref<10000xi32, #tpu.memory_space<vmem>>) target_semaphore(%arg10 : memref<!tpu.dma_semaphore, #tpu.memory_space<semaphore_mem>>)
    %add3A_131 = arith.constant 60000 : i32
    %add3A_132 = vector.broadcast %add3A_131 : i32 to vector<16xi32>
    %add3A_133 = arith.addi %iota3A, %add3A_132 : vector<16xi32>
    %scan3A_134 = arith.constant 0 : i32
    %scan3A_135 = arith.constant 125 : i32
    %scan3A_136 = arith.addi %scan3A_134, %scan3A_135 : i32
    %scan3A_137 = arith.constant 1 : i32
    %scan3A_138 = scf.for %scan3A_180 = %scan3A_134 to %scan3A_136 step %scan3A_137 iter_args(%scan3A_181 = %add3A_133) -> (vector<16xi32>)  : i32 {
      %mul3A_182 = arith.constant 5 : i32
      %mul3A_183 = arith.muli %scan3A_180, %mul3A_182 : i32
      %add3A_184 = arith.constant 0 : i32
      %add3A_185 = arith.addi %mul3A_183, %add3A_184 : i32
      %mul3A_186 = arith.constant 16 : i32
      %mul3A_187 = arith.muli %add3A_185, %mul3A_186 : i32
      %get3A = arith.index_cast %mul3A_187 : i32 to index
      %get3A_188 = tpu.vector_load %arg6[%get3A] {strides = array<i32>} : memref<10000xi32, #tpu.memory_space<vmem>>, vector<16xi32>,
      %sub3A = vector.broadcast %mul3A_2 : i32 to vector<16xi32>
      %sub3A_189 = arith.subi %get3A_188, %sub3A : vector<16xi32>
      %lt3A = vector.broadcast %select_n3A : i32 to vector<16xi32>
      %lt3A_190 = arith.cmpi ult, %sub3A_189, %lt3A : vector<16xi32>
      %add3A_191 = arith.constant 16 : i32
      %add3A_192 = vector.broadcast %add3A_191 : i32 to vector<16xi32>
      %add3A_193 = arith.addi %scan3A_181, %add3A_192 : vector<16xi32>
      %mul3A_194 = arith.constant 5 : i32
      %mul3A_195 = arith.muli %scan3A_180, %mul3A_194 : i32
      %add3A_196 = arith.constant 1 : i32
      %add3A_197 = arith.addi %mul3A_195, %add3A_196 : i32
      %mul3A_198 = arith.constant 16 : i32
      %mul3A_199 = arith.muli %add3A_197, %mul3A_198 : i32
      %get3A_200 = arith.index_cast %mul3A_199 : i32 to index
      %get3A_201 = tpu.vector_load %arg6[%get3A_200] {strides = array<i32>} : memref<10000xi32, #tpu.memory_space<vmem>>, vector<16xi32>,
      %sub3A_202 = vector.broadcast %mul3A_2 : i32 to vector<16xi32>
      %sub3A_203 = arith.subi %get3A_201, %sub3A_202 : vector<16xi32>
      %lt3A_204 = vector.broadcast %select_n3A : i32 to vector<16xi32>
      %lt3A_205 = arith.cmpi ult, %sub3A_203, %lt3A_204 : vector<16xi32>
      %add3A_206 = arith.constant 16 : i32
      %add3A_207 = vector.broadcast %add3A_206 : i32 to vector<16xi32>
      %add3A_208 = arith.addi %add3A_193, %add3A_207 : vector<16xi32>
      %mul3A_209 = arith.constant 5 : i32
      %mul3A_210 = arith.muli %scan3A_180, %mul3A_209 : i32
      %add3A_211 = arith.constant 2 : i32
      %add3A_212 = arith.addi %mul3A_210, %add3A_211 : i32
      %mul3A_213 = arith.constant 16 : i32
      %mul3A_214 = arith.muli %add3A_212, %mul3A_213 : i32
      %get3A_215 = arith.index_cast %mul3A_214 : i32 to index
      %get3A_216 = tpu.vector_load %arg6[%get3A_215] {strides = array<i32>} : memref<10000xi32, #tpu.memory_space<vmem>>, vector<16xi32>,
      %sub3A_217 = vector.broadcast %mul3A_2 : i32 to vector<16xi32>
      %sub3A_218 = arith.subi %get3A_216, %sub3A_217 : vector<16xi32>
      %lt3A_219 = vector.broadcast %select_n3A : i32 to vector<16xi32>
      %lt3A_220 = arith.cmpi ult, %sub3A_218, %lt3A_219 : vector<16xi32>
      %add3A_221 = arith.constant 16 : i32
      %add3A_222 = vector.broadcast %add3A_221 : i32 to vector<16xi32>
      %add3A_223 = arith.addi %add3A_208, %add3A_222 : vector<16xi32>
      %mul3A_224 = arith.constant 5 : i32
      %mul3A_225 = arith.muli %scan3A_180, %mul3A_224 : i32
      %add3A_226 = arith.constant 3 : i32
      %add3A_227 = arith.addi %mul3A_225, %add3A_226 : i32
      %mul3A_228 = arith.constant 16 : i32
      %mul3A_229 = arith.muli %add3A_227, %mul3A_228 : i32
      %get3A_230 = arith.index_cast %mul3A_229 : i32 to index
      %get3A_231 = tpu.vector_load %arg6[%get3A_230] {strides = array<i32>} : memref<10000xi32, #tpu.memory_space<vmem>>, vector<16xi32>,
      %sub3A_232 = vector.broadcast %mul3A_2 : i32 to vector<16xi32>
      %sub3A_233 = arith.subi %get3A_231, %sub3A_232 : vector<16xi32>
      %lt3A_234 = vector.broadcast %select_n3A : i32 to vector<16xi32>
      %lt3A_235 = arith.cmpi ult, %sub3A_233, %lt3A_234 : vector<16xi32>
      %add3A_236 = arith.constant 16 : i32
      %add3A_237 = vector.broadcast %add3A_236 : i32 to vector<16xi32>
      %add3A_238 = arith.addi %add3A_223, %add3A_237 : vector<16xi32>
      %mul3A_239 = arith.constant 5 : i32
      %mul3A_240 = arith.muli %scan3A_180, %mul3A_239 : i32
      %add3A_241 = arith.constant 4 : i32
      %add3A_242 = arith.addi %mul3A_240, %add3A_241 : i32
      %mul3A_243 = arith.constant 16 : i32
      %mul3A_244 = arith.muli %add3A_242, %mul3A_243 : i32
      %get3A_245 = arith.index_cast %mul3A_244 : i32 to index
      %get3A_246 = tpu.vector_load %arg6[%get3A_245] {strides = array<i32>} : memref<10000xi32, #tpu.memory_space<vmem>>, vector<16xi32>,
      %sub3A_247 = vector.broadcast %mul3A_2 : i32 to vector<16xi32>
      %sub3A_248 = arith.subi %get3A_246, %sub3A_247 : vector<16xi32>
      %lt3A_249 = vector.broadcast %select_n3A : i32 to vector<16xi32>
      %lt3A_250 = arith.cmpi ult, %sub3A_248, %lt3A_249 : vector<16xi32>
      %add3A_251 = arith.constant 16 : i32
      %add3A_252 = vector.broadcast %add3A_251 : i32 to vector<16xi32>
      %add3A_253 = arith.addi %add3A_238, %add3A_252 : vector<16xi32>
      tpu.vector_store_idx %arg8[%sub3A_189], %scan3A_181 masked %lt3A_190 : memref<31328xi32, #tpu.memory_space<vmem>>[vector<16xi32>], vector<16xi32>, vector<16xi1>
      tpu.vector_store_idx %arg8[%sub3A_203], %add3A_193 masked %lt3A_205 : memref<31328xi32, #tpu.memory_space<vmem>>[vector<16xi32>], vector<16xi32>, vector<16xi1>
      tpu.vector_store_idx %arg8[%sub3A_218], %add3A_208 masked %lt3A_220 : memref<31328xi32, #tpu.memory_space<vmem>>[vector<16xi32>], vector<16xi32>, vector<16xi1>
      tpu.vector_store_idx %arg8[%sub3A_233], %add3A_223 masked %lt3A_235 : memref<31328xi32, #tpu.memory_space<vmem>>[vector<16xi32>], vector<16xi32>, vector<16xi1>
      tpu.vector_store_idx %arg8[%sub3A_248], %add3A_238 masked %lt3A_250 : memref<31328xi32, #tpu.memory_space<vmem>>[vector<16xi32>], vector<16xi32>, vector<16xi1>
      scf.yield %add3A_253 : vector<16xi32>
    }
    %scan3A_139 = arith.constant 125 : i32
    %dma_wait3A_140 = arith.constant 70000 : i32
    %dma_wait3A_141 = tpu.memref_slice %arg2[%dma_wait3A_140] : memref<100000xi32, #tpu.memory_space<hbm>> -> memref<10000xi32, #tpu.memory_space<hbm>>
    %dma_wait3A_142 = arith.constant 70000 : i32
    %dma_wait3A_143 = tpu.memref_slice %arg2[%dma_wait3A_142] : memref<100000xi32, #tpu.memory_space<hbm>> -> memref<10000xi32, #tpu.memory_space<hbm>>
    tpu.wait_dma2 semaphore(%arg12 : memref<!tpu.dma_semaphore, #tpu.memory_space<semaphore_mem>>) src(%dma_wait3A_143 : memref<10000xi32, #tpu.memory_space<hbm>>) dst(%arg7 : memref<10000xi32, #tpu.memory_space<vmem>>)
    %add3A_144 = arith.constant 70000 : i32
    %add3A_145 = vector.broadcast %add3A_144 : i32 to vector<16xi32>
    %add3A_146 = arith.addi %iota3A, %add3A_145 : vector<16xi32>
    %scan3A_147 = arith.constant 0 : i32
    %scan3A_148 = arith.constant 125 : i32
    %scan3A_149 = arith.addi %scan3A_147, %scan3A_148 : i32
    %scan3A_150 = arith.constant 1 : i32
    %scan3A_151 = scf.for %scan3A_180 = %scan3A_147 to %scan3A_149 step %scan3A_150 iter_args(%scan3A_181 = %add3A_146) -> (vector<16xi32>)  : i32 {
      %mul3A_182 = arith.constant 5 : i32
      %mul3A_183 = arith.muli %scan3A_180, %mul3A_182 : i32
      %add3A_184 = arith.constant 0 : i32
      %add3A_185 = arith.addi %mul3A_183, %add3A_184 : i32
      %mul3A_186 = arith.constant 16 : i32
      %mul3A_187 = arith.muli %add3A_185, %mul3A_186 : i32
      %get3A = arith.index_cast %mul3A_187 : i32 to index
      %get3A_188 = tpu.vector_load %arg7[%get3A] {strides = array<i32>} : memref<10000xi32, #tpu.memory_space<vmem>>, vector<16xi32>,
      %sub3A = vector.broadcast %mul3A_2 : i32 to vector<16xi32>
      %sub3A_189 = arith.subi %get3A_188, %sub3A : vector<16xi32>
      %lt3A = vector.broadcast %select_n3A : i32 to vector<16xi32>
      %lt3A_190 = arith.cmpi ult, %sub3A_189, %lt3A : vector<16xi32>
      %add3A_191 = arith.constant 16 : i32
      %add3A_192 = vector.broadcast %add3A_191 : i32 to vector<16xi32>
      %add3A_193 = arith.addi %scan3A_181, %add3A_192 : vector<16xi32>
      %mul3A_194 = arith.constant 5 : i32
      %mul3A_195 = arith.muli %scan3A_180, %mul3A_194 : i32
      %add3A_196 = arith.constant 1 : i32
      %add3A_197 = arith.addi %mul3A_195, %add3A_196 : i32
      %mul3A_198 = arith.constant 16 : i32
      %mul3A_199 = arith.muli %add3A_197, %mul3A_198 : i32
      %get3A_200 = arith.index_cast %mul3A_199 : i32 to index
      %get3A_201 = tpu.vector_load %arg7[%get3A_200] {strides = array<i32>} : memref<10000xi32, #tpu.memory_space<vmem>>, vector<16xi32>,
      %sub3A_202 = vector.broadcast %mul3A_2 : i32 to vector<16xi32>
      %sub3A_203 = arith.subi %get3A_201, %sub3A_202 : vector<16xi32>
      %lt3A_204 = vector.broadcast %select_n3A : i32 to vector<16xi32>
      %lt3A_205 = arith.cmpi ult, %sub3A_203, %lt3A_204 : vector<16xi32>
      %add3A_206 = arith.constant 16 : i32
      %add3A_207 = vector.broadcast %add3A_206 : i32 to vector<16xi32>
      %add3A_208 = arith.addi %add3A_193, %add3A_207 : vector<16xi32>
      %mul3A_209 = arith.constant 5 : i32
      %mul3A_210 = arith.muli %scan3A_180, %mul3A_209 : i32
      %add3A_211 = arith.constant 2 : i32
      %add3A_212 = arith.addi %mul3A_210, %add3A_211 : i32
      %mul3A_213 = arith.constant 16 : i32
      %mul3A_214 = arith.muli %add3A_212, %mul3A_213 : i32
      %get3A_215 = arith.index_cast %mul3A_214 : i32 to index
      %get3A_216 = tpu.vector_load %arg7[%get3A_215] {strides = array<i32>} : memref<10000xi32, #tpu.memory_space<vmem>>, vector<16xi32>,
      %sub3A_217 = vector.broadcast %mul3A_2 : i32 to vector<16xi32>
      %sub3A_218 = arith.subi %get3A_216, %sub3A_217 : vector<16xi32>
      %lt3A_219 = vector.broadcast %select_n3A : i32 to vector<16xi32>
      %lt3A_220 = arith.cmpi ult, %sub3A_218, %lt3A_219 : vector<16xi32>
      %add3A_221 = arith.constant 16 : i32
      %add3A_222 = vector.broadcast %add3A_221 : i32 to vector<16xi32>
      %add3A_223 = arith.addi %add3A_208, %add3A_222 : vector<16xi32>
      %mul3A_224 = arith.constant 5 : i32
      %mul3A_225 = arith.muli %scan3A_180, %mul3A_224 : i32
      %add3A_226 = arith.constant 3 : i32
      %add3A_227 = arith.addi %mul3A_225, %add3A_226 : i32
      %mul3A_228 = arith.constant 16 : i32
      %mul3A_229 = arith.muli %add3A_227, %mul3A_228 : i32
      %get3A_230 = arith.index_cast %mul3A_229 : i32 to index
      %get3A_231 = tpu.vector_load %arg7[%get3A_230] {strides = array<i32>} : memref<10000xi32, #tpu.memory_space<vmem>>, vector<16xi32>,
      %sub3A_232 = vector.broadcast %mul3A_2 : i32 to vector<16xi32>
      %sub3A_233 = arith.subi %get3A_231, %sub3A_232 : vector<16xi32>
      %lt3A_234 = vector.broadcast %select_n3A : i32 to vector<16xi32>
      %lt3A_235 = arith.cmpi ult, %sub3A_233, %lt3A_234 : vector<16xi32>
      %add3A_236 = arith.constant 16 : i32
      %add3A_237 = vector.broadcast %add3A_236 : i32 to vector<16xi32>
      %add3A_238 = arith.addi %add3A_223, %add3A_237 : vector<16xi32>
      %mul3A_239 = arith.constant 5 : i32
      %mul3A_240 = arith.muli %scan3A_180, %mul3A_239 : i32
      %add3A_241 = arith.constant 4 : i32
      %add3A_242 = arith.addi %mul3A_240, %add3A_241 : i32
      %mul3A_243 = arith.constant 16 : i32
      %mul3A_244 = arith.muli %add3A_242, %mul3A_243 : i32
      %get3A_245 = arith.index_cast %mul3A_244 : i32 to index
      %get3A_246 = tpu.vector_load %arg7[%get3A_245] {strides = array<i32>} : memref<10000xi32, #tpu.memory_space<vmem>>, vector<16xi32>,
      %sub3A_247 = vector.broadcast %mul3A_2 : i32 to vector<16xi32>
      %sub3A_248 = arith.subi %get3A_246, %sub3A_247 : vector<16xi32>
      %lt3A_249 = vector.broadcast %select_n3A : i32 to vector<16xi32>
      %lt3A_250 = arith.cmpi ult, %sub3A_248, %lt3A_249 : vector<16xi32>
      %add3A_251 = arith.constant 16 : i32
      %add3A_252 = vector.broadcast %add3A_251 : i32 to vector<16xi32>
      %add3A_253 = arith.addi %add3A_238, %add3A_252 : vector<16xi32>
      tpu.vector_store_idx %arg8[%sub3A_189], %scan3A_181 masked %lt3A_190 : memref<31328xi32, #tpu.memory_space<vmem>>[vector<16xi32>], vector<16xi32>, vector<16xi1>
      tpu.vector_store_idx %arg8[%sub3A_203], %add3A_193 masked %lt3A_205 : memref<31328xi32, #tpu.memory_space<vmem>>[vector<16xi32>], vector<16xi32>, vector<16xi1>
      tpu.vector_store_idx %arg8[%sub3A_218], %add3A_208 masked %lt3A_220 : memref<31328xi32, #tpu.memory_space<vmem>>[vector<16xi32>], vector<16xi32>, vector<16xi1>
      tpu.vector_store_idx %arg8[%sub3A_233], %add3A_223 masked %lt3A_235 : memref<31328xi32, #tpu.memory_space<vmem>>[vector<16xi32>], vector<16xi32>, vector<16xi1>
      tpu.vector_store_idx %arg8[%sub3A_248], %add3A_238 masked %lt3A_250 : memref<31328xi32, #tpu.memory_space<vmem>>[vector<16xi32>], vector<16xi32>, vector<16xi1>
      scf.yield %add3A_253 : vector<16xi32>
    }
    %scan3A_152 = arith.constant 125 : i32
    %dma_wait3A_153 = arith.constant 80000 : i32
    %dma_wait3A_154 = tpu.memref_slice %arg2[%dma_wait3A_153] : memref<100000xi32, #tpu.memory_space<hbm>> -> memref<10000xi32, #tpu.memory_space<hbm>>
    %dma_wait3A_155 = arith.constant 80000 : i32
    %dma_wait3A_156 = tpu.memref_slice %arg2[%dma_wait3A_155] : memref<100000xi32, #tpu.memory_space<hbm>> -> memref<10000xi32, #tpu.memory_space<hbm>>
    tpu.wait_dma2 semaphore(%arg9 : memref<!tpu.dma_semaphore, #tpu.memory_space<semaphore_mem>>) src(%dma_wait3A_156 : memref<10000xi32, #tpu.memory_space<hbm>>) dst(%arg4 : memref<10000xi32, #tpu.memory_space<vmem>>)
    %add3A_157 = arith.constant 80000 : i32
    %add3A_158 = vector.broadcast %add3A_157 : i32 to vector<16xi32>
    %add3A_159 = arith.addi %iota3A, %add3A_158 : vector<16xi32>
    %scan3A_160 = arith.constant 0 : i32
    %scan3A_161 = arith.constant 125 : i32
    %scan3A_162 = arith.addi %scan3A_160, %scan3A_161 : i32
    %scan3A_163 = arith.constant 1 : i32
    %scan3A_164 = scf.for %scan3A_180 = %scan3A_160 to %scan3A_162 step %scan3A_163 iter_args(%scan3A_181 = %add3A_159) -> (vector<16xi32>)  : i32 {
      %mul3A_182 = arith.constant 5 : i32
      %mul3A_183 = arith.muli %scan3A_180, %mul3A_182 : i32
      %add3A_184 = arith.constant 0 : i32
      %add3A_185 = arith.addi %mul3A_183, %add3A_184 : i32
      %mul3A_186 = arith.constant 16 : i32
      %mul3A_187 = arith.muli %add3A_185, %mul3A_186 : i32
      %get3A = arith.index_cast %mul3A_187 : i32 to index
      %get3A_188 = tpu.vector_load %arg4[%get3A] {strides = array<i32>} : memref<10000xi32, #tpu.memory_space<vmem>>, vector<16xi32>,
      %sub3A = vector.broadcast %mul3A_2 : i32 to vector<16xi32>
      %sub3A_189 = arith.subi %get3A_188, %sub3A : vector<16xi32>
      %lt3A = vector.broadcast %select_n3A : i32 to vector<16xi32>
      %lt3A_190 = arith.cmpi ult, %sub3A_189, %lt3A : vector<16xi32>
      %add3A_191 = arith.constant 16 : i32
      %add3A_192 = vector.broadcast %add3A_191 : i32 to vector<16xi32>
      %add3A_193 = arith.addi %scan3A_181, %add3A_192 : vector<16xi32>
      %mul3A_194 = arith.constant 5 : i32
      %mul3A_195 = arith.muli %scan3A_180, %mul3A_194 : i32
      %add3A_196 = arith.constant 1 : i32
      %add3A_197 = arith.addi %mul3A_195, %add3A_196 : i32
      %mul3A_198 = arith.constant 16 : i32
      %mul3A_199 = arith.muli %add3A_197, %mul3A_198 : i32
      %get3A_200 = arith.index_cast %mul3A_199 : i32 to index
      %get3A_201 = tpu.vector_load %arg4[%get3A_200] {strides = array<i32>} : memref<10000xi32, #tpu.memory_space<vmem>>, vector<16xi32>,
      %sub3A_202 = vector.broadcast %mul3A_2 : i32 to vector<16xi32>
      %sub3A_203 = arith.subi %get3A_201, %sub3A_202 : vector<16xi32>
      %lt3A_204 = vector.broadcast %select_n3A : i32 to vector<16xi32>
      %lt3A_205 = arith.cmpi ult, %sub3A_203, %lt3A_204 : vector<16xi32>
      %add3A_206 = arith.constant 16 : i32
      %add3A_207 = vector.broadcast %add3A_206 : i32 to vector<16xi32>
      %add3A_208 = arith.addi %add3A_193, %add3A_207 : vector<16xi32>
      %mul3A_209 = arith.constant 5 : i32
      %mul3A_210 = arith.muli %scan3A_180, %mul3A_209 : i32
      %add3A_211 = arith.constant 2 : i32
      %add3A_212 = arith.addi %mul3A_210, %add3A_211 : i32
      %mul3A_213 = arith.constant 16 : i32
      %mul3A_214 = arith.muli %add3A_212, %mul3A_213 : i32
      %get3A_215 = arith.index_cast %mul3A_214 : i32 to index
      %get3A_216 = tpu.vector_load %arg4[%get3A_215] {strides = array<i32>} : memref<10000xi32, #tpu.memory_space<vmem>>, vector<16xi32>,
      %sub3A_217 = vector.broadcast %mul3A_2 : i32 to vector<16xi32>
      %sub3A_218 = arith.subi %get3A_216, %sub3A_217 : vector<16xi32>
      %lt3A_219 = vector.broadcast %select_n3A : i32 to vector<16xi32>
      %lt3A_220 = arith.cmpi ult, %sub3A_218, %lt3A_219 : vector<16xi32>
      %add3A_221 = arith.constant 16 : i32
      %add3A_222 = vector.broadcast %add3A_221 : i32 to vector<16xi32>
      %add3A_223 = arith.addi %add3A_208, %add3A_222 : vector<16xi32>
      %mul3A_224 = arith.constant 5 : i32
      %mul3A_225 = arith.muli %scan3A_180, %mul3A_224 : i32
      %add3A_226 = arith.constant 3 : i32
      %add3A_227 = arith.addi %mul3A_225, %add3A_226 : i32
      %mul3A_228 = arith.constant 16 : i32
      %mul3A_229 = arith.muli %add3A_227, %mul3A_228 : i32
      %get3A_230 = arith.index_cast %mul3A_229 : i32 to index
      %get3A_231 = tpu.vector_load %arg4[%get3A_230] {strides = array<i32>} : memref<10000xi32, #tpu.memory_space<vmem>>, vector<16xi32>,
      %sub3A_232 = vector.broadcast %mul3A_2 : i32 to vector<16xi32>
      %sub3A_233 = arith.subi %get3A_231, %sub3A_232 : vector<16xi32>
      %lt3A_234 = vector.broadcast %select_n3A : i32 to vector<16xi32>
      %lt3A_235 = arith.cmpi ult, %sub3A_233, %lt3A_234 : vector<16xi32>
      %add3A_236 = arith.constant 16 : i32
      %add3A_237 = vector.broadcast %add3A_236 : i32 to vector<16xi32>
      %add3A_238 = arith.addi %add3A_223, %add3A_237 : vector<16xi32>
      %mul3A_239 = arith.constant 5 : i32
      %mul3A_240 = arith.muli %scan3A_180, %mul3A_239 : i32
      %add3A_241 = arith.constant 4 : i32
      %add3A_242 = arith.addi %mul3A_240, %add3A_241 : i32
      %mul3A_243 = arith.constant 16 : i32
      %mul3A_244 = arith.muli %add3A_242, %mul3A_243 : i32
      %get3A_245 = arith.index_cast %mul3A_244 : i32 to index
      %get3A_246 = tpu.vector_load %arg4[%get3A_245] {strides = array<i32>} : memref<10000xi32, #tpu.memory_space<vmem>>, vector<16xi32>,
      %sub3A_247 = vector.broadcast %mul3A_2 : i32 to vector<16xi32>
      %sub3A_248 = arith.subi %get3A_246, %sub3A_247 : vector<16xi32>
      %lt3A_249 = vector.broadcast %select_n3A : i32 to vector<16xi32>
      %lt3A_250 = arith.cmpi ult, %sub3A_248, %lt3A_249 : vector<16xi32>
      %add3A_251 = arith.constant 16 : i32
      %add3A_252 = vector.broadcast %add3A_251 : i32 to vector<16xi32>
      %add3A_253 = arith.addi %add3A_238, %add3A_252 : vector<16xi32>
      tpu.vector_store_idx %arg8[%sub3A_189], %scan3A_181 masked %lt3A_190 : memref<31328xi32, #tpu.memory_space<vmem>>[vector<16xi32>], vector<16xi32>, vector<16xi1>
      tpu.vector_store_idx %arg8[%sub3A_203], %add3A_193 masked %lt3A_205 : memref<31328xi32, #tpu.memory_space<vmem>>[vector<16xi32>], vector<16xi32>, vector<16xi1>
      tpu.vector_store_idx %arg8[%sub3A_218], %add3A_208 masked %lt3A_220 : memref<31328xi32, #tpu.memory_space<vmem>>[vector<16xi32>], vector<16xi32>, vector<16xi1>
      tpu.vector_store_idx %arg8[%sub3A_233], %add3A_223 masked %lt3A_235 : memref<31328xi32, #tpu.memory_space<vmem>>[vector<16xi32>], vector<16xi32>, vector<16xi1>
      tpu.vector_store_idx %arg8[%sub3A_248], %add3A_238 masked %lt3A_250 : memref<31328xi32, #tpu.memory_space<vmem>>[vector<16xi32>], vector<16xi32>, vector<16xi1>
      scf.yield %add3A_253 : vector<16xi32>
    }
    %scan3A_165 = arith.constant 125 : i32
    %dma_wait3A_166 = arith.constant 90000 : i32
    %dma_wait3A_167 = tpu.memref_slice %arg2[%dma_wait3A_166] : memref<100000xi32, #tpu.memory_space<hbm>> -> memref<10000xi32, #tpu.memory_space<hbm>>
    %dma_wait3A_168 = arith.constant 90000 : i32
    %dma_wait3A_169 = tpu.memref_slice %arg2[%dma_wait3A_168] : memref<100000xi32, #tpu.memory_space<hbm>> -> memref<10000xi32, #tpu.memory_space<hbm>>
    tpu.wait_dma2 semaphore(%arg10 : memref<!tpu.dma_semaphore, #tpu.memory_space<semaphore_mem>>) src(%dma_wait3A_169 : memref<10000xi32, #tpu.memory_space<hbm>>) dst(%arg5 : memref<10000xi32, #tpu.memory_space<vmem>>)
    %add3A_170 = arith.constant 90000 : i32
    %add3A_171 = vector.broadcast %add3A_170 : i32 to vector<16xi32>
    %add3A_172 = arith.addi %iota3A, %add3A_171 : vector<16xi32>
    %scan3A_173 = arith.constant 0 : i32
    %scan3A_174 = arith.constant 125 : i32
    %scan3A_175 = arith.addi %scan3A_173, %scan3A_174 : i32
    %scan3A_176 = arith.constant 1 : i32
    %scan3A_177 = scf.for %scan3A_180 = %scan3A_173 to %scan3A_175 step %scan3A_176 iter_args(%scan3A_181 = %add3A_172) -> (vector<16xi32>)  : i32 {
      %mul3A_182 = arith.constant 5 : i32
      %mul3A_183 = arith.muli %scan3A_180, %mul3A_182 : i32
      %add3A_184 = arith.constant 0 : i32
      %add3A_185 = arith.addi %mul3A_183, %add3A_184 : i32
      %mul3A_186 = arith.constant 16 : i32
      %mul3A_187 = arith.muli %add3A_185, %mul3A_186 : i32
      %get3A = arith.index_cast %mul3A_187 : i32 to index
      %get3A_188 = tpu.vector_load %arg5[%get3A] {strides = array<i32>} : memref<10000xi32, #tpu.memory_space<vmem>>, vector<16xi32>,
      %sub3A = vector.broadcast %mul3A_2 : i32 to vector<16xi32>
      %sub3A_189 = arith.subi %get3A_188, %sub3A : vector<16xi32>
      %lt3A = vector.broadcast %select_n3A : i32 to vector<16xi32>
      %lt3A_190 = arith.cmpi ult, %sub3A_189, %lt3A : vector<16xi32>
      %add3A_191 = arith.constant 16 : i32
      %add3A_192 = vector.broadcast %add3A_191 : i32 to vector<16xi32>
      %add3A_193 = arith.addi %scan3A_181, %add3A_192 : vector<16xi32>
      %mul3A_194 = arith.constant 5 : i32
      %mul3A_195 = arith.muli %scan3A_180, %mul3A_194 : i32
      %add3A_196 = arith.constant 1 : i32
      %add3A_197 = arith.addi %mul3A_195, %add3A_196 : i32
      %mul3A_198 = arith.constant 16 : i32
      %mul3A_199 = arith.muli %add3A_197, %mul3A_198 : i32
      %get3A_200 = arith.index_cast %mul3A_199 : i32 to index
      %get3A_201 = tpu.vector_load %arg5[%get3A_200] {strides = array<i32>} : memref<10000xi32, #tpu.memory_space<vmem>>, vector<16xi32>,
      %sub3A_202 = vector.broadcast %mul3A_2 : i32 to vector<16xi32>
      %sub3A_203 = arith.subi %get3A_201, %sub3A_202 : vector<16xi32>
      %lt3A_204 = vector.broadcast %select_n3A : i32 to vector<16xi32>
      %lt3A_205 = arith.cmpi ult, %sub3A_203, %lt3A_204 : vector<16xi32>
      %add3A_206 = arith.constant 16 : i32
      %add3A_207 = vector.broadcast %add3A_206 : i32 to vector<16xi32>
      %add3A_208 = arith.addi %add3A_193, %add3A_207 : vector<16xi32>
      %mul3A_209 = arith.constant 5 : i32
      %mul3A_210 = arith.muli %scan3A_180, %mul3A_209 : i32
      %add3A_211 = arith.constant 2 : i32
      %add3A_212 = arith.addi %mul3A_210, %add3A_211 : i32
      %mul3A_213 = arith.constant 16 : i32
      %mul3A_214 = arith.muli %add3A_212, %mul3A_213 : i32
      %get3A_215 = arith.index_cast %mul3A_214 : i32 to index
      %get3A_216 = tpu.vector_load %arg5[%get3A_215] {strides = array<i32>} : memref<10000xi32, #tpu.memory_space<vmem>>, vector<16xi32>,
      %sub3A_217 = vector.broadcast %mul3A_2 : i32 to vector<16xi32>
      %sub3A_218 = arith.subi %get3A_216, %sub3A_217 : vector<16xi32>
      %lt3A_219 = vector.broadcast %select_n3A : i32 to vector<16xi32>
      %lt3A_220 = arith.cmpi ult, %sub3A_218, %lt3A_219 : vector<16xi32>
      %add3A_221 = arith.constant 16 : i32
      %add3A_222 = vector.broadcast %add3A_221 : i32 to vector<16xi32>
      %add3A_223 = arith.addi %add3A_208, %add3A_222 : vector<16xi32>
      %mul3A_224 = arith.constant 5 : i32
      %mul3A_225 = arith.muli %scan3A_180, %mul3A_224 : i32
      %add3A_226 = arith.constant 3 : i32
      %add3A_227 = arith.addi %mul3A_225, %add3A_226 : i32
      %mul3A_228 = arith.constant 16 : i32
      %mul3A_229 = arith.muli %add3A_227, %mul3A_228 : i32
      %get3A_230 = arith.index_cast %mul3A_229 : i32 to index
      %get3A_231 = tpu.vector_load %arg5[%get3A_230] {strides = array<i32>} : memref<10000xi32, #tpu.memory_space<vmem>>, vector<16xi32>,
      %sub3A_232 = vector.broadcast %mul3A_2 : i32 to vector<16xi32>
      %sub3A_233 = arith.subi %get3A_231, %sub3A_232 : vector<16xi32>
      %lt3A_234 = vector.broadcast %select_n3A : i32 to vector<16xi32>
      %lt3A_235 = arith.cmpi ult, %sub3A_233, %lt3A_234 : vector<16xi32>
      %add3A_236 = arith.constant 16 : i32
      %add3A_237 = vector.broadcast %add3A_236 : i32 to vector<16xi32>
      %add3A_238 = arith.addi %add3A_223, %add3A_237 : vector<16xi32>
      %mul3A_239 = arith.constant 5 : i32
      %mul3A_240 = arith.muli %scan3A_180, %mul3A_239 : i32
      %add3A_241 = arith.constant 4 : i32
      %add3A_242 = arith.addi %mul3A_240, %add3A_241 : i32
      %mul3A_243 = arith.constant 16 : i32
      %mul3A_244 = arith.muli %add3A_242, %mul3A_243 : i32
      %get3A_245 = arith.index_cast %mul3A_244 : i32 to index
      %get3A_246 = tpu.vector_load %arg5[%get3A_245] {strides = array<i32>} : memref<10000xi32, #tpu.memory_space<vmem>>, vector<16xi32>,
      %sub3A_247 = vector.broadcast %mul3A_2 : i32 to vector<16xi32>
      %sub3A_248 = arith.subi %get3A_246, %sub3A_247 : vector<16xi32>
      %lt3A_249 = vector.broadcast %select_n3A : i32 to vector<16xi32>
      %lt3A_250 = arith.cmpi ult, %sub3A_248, %lt3A_249 : vector<16xi32>
      %add3A_251 = arith.constant 16 : i32
      %add3A_252 = vector.broadcast %add3A_251 : i32 to vector<16xi32>
      %add3A_253 = arith.addi %add3A_238, %add3A_252 : vector<16xi32>
      tpu.vector_store_idx %arg8[%sub3A_189], %scan3A_181 masked %lt3A_190 : memref<31328xi32, #tpu.memory_space<vmem>>[vector<16xi32>], vector<16xi32>, vector<16xi1>
      tpu.vector_store_idx %arg8[%sub3A_203], %add3A_193 masked %lt3A_205 : memref<31328xi32, #tpu.memory_space<vmem>>[vector<16xi32>], vector<16xi32>, vector<16xi1>
      tpu.vector_store_idx %arg8[%sub3A_218], %add3A_208 masked %lt3A_220 : memref<31328xi32, #tpu.memory_space<vmem>>[vector<16xi32>], vector<16xi32>, vector<16xi1>
      tpu.vector_store_idx %arg8[%sub3A_233], %add3A_223 masked %lt3A_235 : memref<31328xi32, #tpu.memory_space<vmem>>[vector<16xi32>], vector<16xi32>, vector<16xi1>
      tpu.vector_store_idx %arg8[%sub3A_248], %add3A_238 masked %lt3A_250 : memref<31328xi32, #tpu.memory_space<vmem>>[vector<16xi32>], vector<16xi32>, vector<16xi1>
      scf.yield %add3A_253 : vector<16xi32>
    }
    %scan3A_178 = arith.constant 125 : i32
    "tpu.region"() ({
      %run_scoped3A = tpu.sem_alloc : memref<!tpu.dma_semaphore, #tpu.memory_space<semaphore_mem>>
      %dma_start3A_180 = arith.constant 0 : i32
      %dma_start3A_181 = tpu.memref_slice %arg8[%dma_start3A_180] : memref<31328xi32, #tpu.memory_space<vmem>> -> memref<31248xi32, #tpu.memory_space<vmem>>
      %dma_start3A_182 = tpu.memref_slice %arg3[%mul3A_2] : memref<1000000xi32, #tpu.memory_space<hbm>> -> memref<31248xi32, #tpu.memory_space<hbm>>
      %dma_start3A_183 = tpu.memref_slice %arg3[%mul3A_2] : memref<1000000xi32, #tpu.memory_space<hbm>> -> memref<31248xi32, #tpu.memory_space<hbm>>
      %dma_start3A_184 = arith.constant 0 : i32
      %dma_start3A_185 = tpu.memref_slice %arg8[%dma_start3A_184] : memref<31328xi32, #tpu.memory_space<vmem>> -> memref<31248xi32, #tpu.memory_space<vmem>>
      tpu.enqueue_dma source(%dma_start3A_185 : memref<31248xi32, #tpu.memory_space<vmem>>) target(%dma_start3A_183 : memref<31248xi32, #tpu.memory_space<hbm>>) target_semaphore(%run_scoped3A : memref<!tpu.dma_semaphore, #tpu.memory_space<semaphore_mem>>)
      %dma_wait3A_186 = arith.constant 0 : i32
      %dma_wait3A_187 = tpu.memref_slice %arg8[%dma_wait3A_186] : memref<31328xi32, #tpu.memory_space<vmem>> -> memref<31248xi32, #tpu.memory_space<vmem>>
      %dma_wait3A_188 = tpu.memref_slice %arg3[%mul3A_2] : memref<1000000xi32, #tpu.memory_space<hbm>> -> memref<31248xi32, #tpu.memory_space<hbm>>
      %dma_wait3A_189 = tpu.memref_slice %arg3[%mul3A_2] : memref<1000000xi32, #tpu.memory_space<hbm>> -> memref<31248xi32, #tpu.memory_space<hbm>>
      %dma_wait3A_190 = arith.constant 0 : i32
      %dma_wait3A_191 = tpu.memref_slice %arg8[%dma_wait3A_190] : memref<31328xi32, #tpu.memory_space<vmem>> -> memref<31248xi32, #tpu.memory_space<vmem>>
      tpu.wait_dma2 semaphore(%run_scoped3A : memref<!tpu.dma_semaphore, #tpu.memory_space<semaphore_mem>>) src(%dma_wait3A_191 : memref<31248xi32, #tpu.memory_space<vmem>>) dst(%dma_wait3A_189 : memref<31248xi32, #tpu.memory_space<hbm>>)
      tpu.yield
    }) : () -> ()
    %convert_element_type3A = arith.extui %eq3A_3 : i1 to i32
    %cond3A = arith.constant 0 : i32
    %cond3A_179 = arith.cmpi ne, %convert_element_type3A, %cond3A : i32
    scf.if %cond3A_179 {
      "tpu.region"() ({
        %run_scoped3A = tpu.sem_alloc : memref<!tpu.dma_semaphore, #tpu.memory_space<semaphore_mem>>
        %dma_start3A_180 = arith.constant 31248 : i32
        %dma_start3A_181 = tpu.memref_slice %arg8[%dma_start3A_180] : memref<31328xi32, #tpu.memory_space<vmem>> -> memref<64xi32, #tpu.memory_space<vmem>>
        %dma_start3A_182 = arith.constant 999936 : i32
        %dma_start3A_183 = tpu.memref_slice %arg3[%dma_start3A_182] : memref<1000000xi32, #tpu.memory_space<hbm>> -> memref<64xi32, #tpu.memory_space<hbm>>
        %dma_start3A_184 = arith.constant 999936 : i32
        %dma_start3A_185 = tpu.memref_slice %arg3[%dma_start3A_184] : memref<1000000xi32, #tpu.memory_space<hbm>> -> memref<64xi32, #tpu.memory_space<hbm>>
        %dma_start3A_186 = arith.constant 31248 : i32
        %dma_start3A_187 = tpu.memref_slice %arg8[%dma_start3A_186] : memref<31328xi32, #tpu.memory_space<vmem>> -> memref<64xi32, #tpu.memory_space<vmem>>
        tpu.enqueue_dma source(%dma_start3A_187 : memref<64xi32, #tpu.memory_space<vmem>>) target(%dma_start3A_185 : memref<64xi32, #tpu.memory_space<hbm>>) target_semaphore(%run_scoped3A : memref<!tpu.dma_semaphore, #tpu.memory_space<semaphore_mem>>)
        %dma_wait3A_188 = arith.constant 31248 : i32
        %dma_wait3A_189 = tpu.memref_slice %arg8[%dma_wait3A_188] : memref<31328xi32, #tpu.memory_space<vmem>> -> memref<64xi32, #tpu.memory_space<vmem>>
        %dma_wait3A_190 = arith.constant 999936 : i32
        %dma_wait3A_191 = tpu.memref_slice %arg3[%dma_wait3A_190] : memref<1000000xi32, #tpu.memory_space<hbm>> -> memref<64xi32, #tpu.memory_space<hbm>>
        %dma_wait3A_192 = arith.constant 999936 : i32
        %dma_wait3A_193 = tpu.memref_slice %arg3[%dma_wait3A_192] : memref<1000000xi32, #tpu.memory_space<hbm>> -> memref<64xi32, #tpu.memory_space<hbm>>
        %dma_wait3A_194 = arith.constant 31248 : i32
        %dma_wait3A_195 = tpu.memref_slice %arg8[%dma_wait3A_194] : memref<31328xi32, #tpu.memory_space<vmem>> -> memref<64xi32, #tpu.memory_space<vmem>>
        tpu.wait_dma2 semaphore(%run_scoped3A : memref<!tpu.dma_semaphore, #tpu.memory_space<semaphore_mem>>) src(%dma_wait3A_195 : memref<64xi32, #tpu.memory_space<vmem>>) dst(%dma_wait3A_193 : memref<64xi32, #tpu.memory_space<hbm>>)
        tpu.yield
      }) : () -> ()
    } else {
    }
    return
  }
}

</mosaic_0001>

<sc_bundles>
// kernel: kernel.3.cloned.1.call-start
scs
__scs_entry_jumppad:
0x0: {  	(pc) =	sbr.rel $0x88, $3  }
0x1: {  	(tag) =	ssettag $0x0;
	lr =	simm.s32 $0x1  }
0x2: {  	[smem:$0x3FA0] =	sst lr;
	_ =	strace $0xD0000000  }
0x3: {  	_ = 	snop  }
0x4: {  	_ = 	snop  }
0x5: {  	_ = 	snop  }
0x6: {  	_ = 	snop  }
0x7: {  	_ = 	snop  }
__scs_overlays_trampoline_lowered:
0x8: {  	[smem:$0x3FAF] =	sst s0  }
0x9: {  	[smem:$0x3FB0] =	sst s1  }
0xa: {  	[smem:$0x3FB1] =	sst s2  }
0xb: {  	[smem:$0x3FB2] =	sst s3  }
0xc: {  	[smem:$0x3FB3] =	sst s4  }
0xd: {  	[smem:$0x3FB4] =	sst s5  }
0xe: {  	[smem:$0x3FB5] =	sst s6  }
0xf: {  	[smem:$0x3FB6] =	sst s7  }
0x10: {  	[smem:$0x3FB7] =	sst s8  }
0x11: {  	[smem:$0x3FB8] =	sst s9;
	s0 =	simm.s32 @!p0 $0x0  }
0x12: {  	s1 =	sld [smem:$0x3F9E];
	s0 =	simm.s32 @p0 $0x1  }
0x13: {  	[smem:$0x3FB9] =	sst s0;
	s0 =	simm.s32 @!p1 $0x0  }
0x14: {  	s2 =	sld [smem:$0x3F9D];
	s0 =	simm.s32 @p1 $0x1  }
0x15: {  	[smem:$0x3FBA] =	sst s0;
	s0 =	simm.s32 @!p2 $0x0  }
0x16: {  	s3 =	sld [smem:$0x3FDB];
	s0 =	simm.s32 @p2 $0x1  }
0x17: {  	s4 =	simm.s32 $0x1BF5;
	[smem:$0x3FBC] =	sst s0  }
0x18: {  	s0 =	sld [smem:$0x3F9F];
	_ =	swait.ge [sflag:s4], $0x0  }
0x19: {  	s7 =	sld [smem:$0x3FA0]  }
0x1a: {  	s8 =	sadd.s32 $0xFFFFE003, lr  }
0x1b: {  	s9 =	sadd.s32 $0xFFFFFEF7, lr;
	s5 =	simm.s32 $0xFFFFFFFF;
	p2 =	slt.u32 s8, $0xFFFFF086  }
0x1c: {  	p1 =	slt.u32 s9, $0xF7A;
	s5 =	simm.s32 @!p2 $0x0  }
0x1d: {  	s5 =	simm.s32 @p1 $0x1;
	p0 =	seq.s32 s7, s2  }
0x1e: {  	s7 =	smul.u32 @!p0 $0xF7A, s2;
	p2 =	seq.s32 @!p0 s5, $0x0  }
0x1f: {  	s9 =	smul.u32 $0xF7A, s1;
	s8 =	simm.s32 @!p0 $0x1BF5;
	p2 =	por !p2, p0  }
0x20: {  	[sflag:s8] =	ssyncset.s32 @!p0 $0xFFFFF086;
	s6 =	sadd.s32 @!p0 s3, s7;
	s7 =	simm.s32 @!p0 $0x108  }
0x21: {  	s3 =	sadd.s32 s3, s9;
	s6 =	sadd.s32 @!p0 $0x88, s6;
	s7 =	simm.s32 @p2 $0x1082  }
0x22: {  	[simem:s7], [sflag:s8] =	dma.local @!p0 [hbm:s6], $0xF7A  }
0x23: {  	s9 =	sor.u32 $0xD0000000, s2;
	s6 =	simm.s32 $0x108;
	_ =	swait.ge @!p0 [sflag:s8], $0x0  }
0x24: {  	s3 =	sadd.s32 $0x88, s3;
	s6 =	simm.s32 @!p1 $0x1082;
	[sflag:s4] =	ssyncset.s32 $0xFFFFF086  }
0x25: {  	[simem:s6], [sflag:s4] =	dma.local [hbm:s3], $0xF7A  }
0x26: {  	[smem:$0x3FA0] =	sst s1;
	(tag) =	ssettag s2;
	_ =	strace s9  }
0x27: {  	s1 =	sld [smem:$0x3FB0]  }
0x28: {  	s2 =	sld [smem:$0x3FB1]  }
0x29: {  	s4 =	sld [smem:$0x3FB3]  }
0x2a: {  	p0 =	seq.s32 s5, $0x0;
	s5 =	sld [smem:$0x3FB4]  }
0x2b: {  	s6 =	sld [smem:$0x3FB5]  }
0x2c: {  	s7 =	sld [smem:$0x3FB6]  }
0x2d: {  	s3 =	simm.s32 $0x108;
	s8 =	sld [smem:$0x3FB7]  }
0x2e: {  	s3 =	simm.s32 @!p0 $0x1082;
	s9 =	sld [smem:$0x3FB8]  }
0x2f: {  	lr =	sadd.s32 s0, s3;
	s0 =	sld [smem:$0x3FAF]  }
0x30: {  	s3 =	sld [smem:$0x3FB2]  }
0x31: {  	[smem:$0x3FBB] =	sst s10  }
0x32: {  	s10 =	sld [smem:$0x3FB9];
	_ =	sdelay $0x3  }
0x33: {  	p0 =	seq.s32 s10, $0x1;
	s10 =	sld [smem:$0x3FBB];
	_ =	sdelay $0x3  }
0x34: {  	[smem:$0x3FBB] =	sst s10  }
0x35: {  	s10 =	sld [smem:$0x3FBA];
	_ =	sdelay $0x3  }
0x36: {  	p1 =	seq.s32 s10, $0x1;
	s10 =	sld [smem:$0x3FBB];
	_ =	sdelay $0x3  }
0x37: {  	[smem:$0x3FBB] =	sst s10  }
0x38: {  	s10 =	sld [smem:$0x3FBC]  }
0x39: {  	_ = 	snop;
	(pc) =	sbr.ind lr, $3  }
0x3a: {  	_ = 	snop  }
0x3b: {  	_ = 	snop  }
0x3c: {  	p2 =	seq.s32 s10, $0x1;
	s10 =	sld [smem:$0x3FBB]  }
0x3d: {  	_ =	shalt  }
0x3e: {  	_ =	shalt  }
0x3f: {  	_ =	shalt  }
0x40: {  	_ =	shalt  }
0x41: {  	_ =	shalt  }
0x42: {  	_ =	shalt  }
0x43: {  	_ =	shalt  }
0x44: {  	_ =	shalt  }
0x45: {  	_ =	shalt  }
0x46: {  	_ =	shalt  }
0x47: {  	_ =	shalt  }
0x48: {  	_ =	shalt  }
0x49: {  	_ =	shalt  }
0x4a: {  	_ =	shalt  }
0x4b: {  	_ =	shalt  }
0x4c: {  	_ =	shalt  }
0x4d: {  	_ =	shalt  }
0x4e: {  	_ =	shalt  }
0x4f: {  	_ =	shalt  }
0x50: {  	_ =	shalt  }
0x51: {  	_ =	shalt  }
0x52: {  	_ =	shalt  }
0x53: {  	_ =	shalt  }
0x54: {  	_ =	shalt  }
0x55: {  	_ =	shalt  }
0x56: {  	_ =	shalt  }
0x57: {  	_ =	shalt  }
0x58: {  	_ =	shalt  }
0x59: {  	_ =	shalt  }
0x5a: {  	_ =	shalt  }
0x5b: {  	_ =	shalt  }
0x5c: {  	_ =	shalt  }
0x5d: {  	_ =	shalt  }
0x5e: {  	_ =	shalt  }
0x5f: {  	_ =	shalt  }
0x60: {  	_ =	shalt  }
0x61: {  	_ =	shalt  }
0x62: {  	_ =	shalt  }
0x63: {  	_ =	shalt  }
0x64: {  	_ =	shalt  }
0x65: {  	_ =	shalt  }
0x66: {  	_ =	shalt  }
0x67: {  	_ =	shalt  }
0x68: {  	_ =	shalt  }
0x69: {  	_ =	shalt  }
0x6a: {  	_ =	shalt  }
0x6b: {  	_ =	shalt  }
0x6c: {  	_ =	shalt  }
0x6d: {  	_ =	shalt  }
0x6e: {  	_ =	shalt  }
0x6f: {  	_ =	shalt  }
0x70: {  	_ =	shalt  }
0x71: {  	_ =	shalt  }
0x72: {  	_ =	shalt  }
0x73: {  	_ =	shalt  }
0x74: {  	_ =	shalt  }
0x75: {  	_ =	shalt  }
0x76: {  	_ =	shalt  }
0x77: {  	_ =	shalt  }
0x78: {  	_ =	shalt  }
0x79: {  	_ =	shalt  }
0x7a: {  	_ =	shalt  }
0x7b: {  	_ =	shalt  }
0x7c: {  	_ =	shalt  }
0x7d: {  	_ =	shalt  }
0x7e: {  	_ =	shalt  }
0x7f: {  	_ =	shalt  }
0x80: {  	_ =	shalt  }
0x81: {  	_ =	shalt  }
0x82: {  	_ =	shalt  }
0x83: {  	_ =	shalt  }
0x84: {  	_ =	shalt  }
0x85: {  	_ =	shalt  }
0x86: {  	_ =	shalt  }
0x87: {  	_ =	shalt  }
.Lfunc_end0:
.L_simem_size_0:
called_computation_lowered:
.L_overlay_start_0:
0x88: {  	s2 =	sld [smem:$0x3FD9]  }
0x89: {  	s3 =	sld [smem:$0x3FFE];
	_ =	sdelay $0x1  }
0x8a: {  	s1 =	srdreg.scid  }
0x8b: {  	s0 =	sand.u32 $0x1, s1  }
0x8c: {  	s18 =	sshll.u32 s0, $0xA;
	s2 =	sadd.s32 s3, s2  }
0x8d: {  	s2 =	sadd.s32 s2, s18  }
0x8e: {  	[smem:$0x3FC7] =	sst s2  }
0x8f: {  	_ = 	snop  }
0x90: {  	s2 =	sld [smem:$0x3FC9]  }
0x91: {  	s19 =	sld [smem:$0x3FD0];
	(tm) =	ssettm $0x1  }
0x92: {  	s4 =	sld [smem:$0x3FFB];
	_ =	sdelay $0x3  }
0x93: {  	_ =	strace s4  }
0x94: {  	s4 =	sld [smem:$0x3FFC];
	_ =	sdelay $0x3  }
0x95: {  	_ =	strace s4  }
0x96: {  	s4 =	sld [smem:$0x3FFD];
	_ =	sdelay $0x3  }
0x97: {  	_ =	strace s4  }
0x98: {  	_ =	strace $0x8FFFFFFF  }
0x99: {  	s20 =	sld [smem:$0x3FDB];
	_ =	sdelay $0x1  }
0x9a: {  	s5 =	simm.s32 $_scs_section_size  }
0x9b: {  	s6 =	simm.s32 $_size__tile_overlayer_lowered;
	s7 =	simm.s32 $_tile_overlayer_lowered  }
0x9c: {  	s23 =	simm.s32 $0x1BFF;
	s22 =	sshll.u32 s7, $0x1;
	s4 =	sadd.s32 s5, s20  }
0x9d: {  	s8 =	simm.s32 $0x0;
	s21 =	sshll.u32 s6, $0x1;
	s6 =	sadd.s32 s22, s4  }
0x9e: {  	[timem:s8], [sflag:s23] =	dma.local [hbm:s6], s21  }
0x9f: {  	_ =	swait.ge [sflag:s23], s21  }
0xa0: {  	s5 =	ssub.s32 $0x0, s21;
	[sflag:s23] =	ssyncset.done $0x0  }
0xa1: {  	[sflag:s23] =	ssyncadd.s32 s5;
	_ =	sdelay $0x1  }
0xa2: {  	s24 =	simm.s32 $0x1B8B  }
0xa3: {  	_ =	swait.ge [sflag:s24], $0x1  }
0xa4: {  	[sflag:s24] =	ssyncset.done $0x0  }
0xa5: {  	s25 =	simm.s32 $0x1B8E;
	[sflag:s24] =	ssyncadd.s32 $0xFFFFFFFF  }
0xa6: {  	s26 =	simm.s32 $execute0_lowered;
	[smem:$0x3FD2] =	sst s25  }
0xa7: {  	s5 =	sshll.u32 s26, $0x1;
	_ =	strace $0x80000046;
	[dreg:$0x1] =	wrdreg $0xFFFFFFFF  }
0xa8: {  	s28 =	simm.s32 $_size_execute0_lowered;
	s4 =	sadd.s32 s4, s5;
	[dreg:$0x0] =	wrdreg $0x0  }
0xa9: {  	s5 =	sshll.u32 s28, $0x1;
	[dreg:$0x2] =	wrdreg s4  }
0xaa: {  	[dreg:$0x3] =	wrdreg s5  }
0xab: {  	[dreg:$0x4] =	wrdreg $0xC0  }
0xac: {  	_ =	task [dreg:s8], $0x5FFFF  }
0xad: {  	[dreg:$0x1] =	wrdreg $0xFFFFFFFF  }
0xae: {  	[dreg:$0x0] =	wrdreg $0x60  }
0xaf: {  	[dreg:$0x2] =	wrdreg s2  }
0xb0: {  	[dreg:$0x3] =	wrdreg s19  }
0xb1: {  	[dreg:$0x4] =	wrdreg $0x9  }
0xb2: {  	_ =	task.clear_ibuf [dreg:s8], $0x5FFFF;
	_ =	strace $0x90000046  }
0xb3: {  	s29 =	simm.s32 $0x9;
	_ =	strace $0x80000048  }
0xb4: {  	_ =	swait.ge [sflag:s29], $0x1  }
0xb5: {  	[sflag:s29] =	ssyncadd.s32 $0xFFFFFFFF  }
0xb6: {  	_ =	strace $0x90000048  }
0xb7: {  	_ =	sfence  }
0xb8: {  	s30 =	sld [smem:$0x0];
	_ =	sdelay $0x2  }
0xb9: {  	s31 =	sshll.u32 s1, $0xD;
	s1 =	sshrl.u32 s1, $0x2  }
0xba: {  	s3 =	sand.u32 $0x4000, s31;
	s1 =	sadd.s32 s1, s30  }
0xbb: {  	s0 =	sor.u32 s3, s0;
	s1 =	sshll.u32 s1, $0x11  }
0xbc: {  	s0 =	sor.u32 s1, s0  }
0xbd: {  	s0 =	sadd.s32 $0x8F2B, s0  }
0xbe: {  	[sflag:s0] =	ssyncadd.remote.s32 $0x1  }
0xbf: {  	_ =	sfence.sel $0xFFFF  }
0xc0: {  	[dreg:$0x0] =	wrdreg $0xFFFFFFFF;
	(pc) =	sbr.abs _section_cstart, $3  }
0xc1: {  	[dreg:$0x1] =	wrdreg $0xFFFFFFFF  }
0xc2: {  	_ =	task.clear_ibuf [dreg:s8], $0x2FFFF;
	_ =	strace $0x9FFFFFFF  }
0xc3: {  	(tm) =	ssettm $0x7FFFFFFF  }
tec
execute0_lowered:
.L_overlay_start_1:
0x0: {  	(tag) =	ssettag $0x1  }
0x1: {  	s1 =	rddreg [dreg:$0x0]  }
0x2: {  	s14 =	rddreg [dreg:$0x1]  }
0x3: {  	s0 =	rddreg [dreg:$0x2]  }
0x4: {  	s3 =	simm.s32 $0x0;
	s4 =	srdreg.scid;
	s2 =	stileid.u32  }
0x5: {  	s18 =	simm.s32 $0x7A50;
	s17 =	simm.s32 $0x4F00;
	s19 =	simm.s32 $0x7680  }
0x6: {  	s20 =	simm.s32 $0x9E00;
	s21 =	simm.s32 $0x2;
	s22 =	simm.s32 $0x3  }
0x7: {  	s23 =	simm.s32 $0x4;
	s25 =	simm.s32 $0x0;
	[smem:$0x7FF] =	sst s3  }
0x8: {  	s4 =	sand.u32 $0x1, s4;
	s5 =	sshll.u32 s2, $0x1;
	s7 =	sadd.s32 $0x1388, s1  }
0x9: {  	s8 =	sadd.s32 $0x186A, s1;
	s9 =	sadd.s32 $0x1D4C, s1;
	s10 =	sadd.s32 $0x222E, s1  }
0xa: {  	s11 =	sadd.s32 $0x2710, s1;
	s12 =	sadd.s32 $0x2BF2, s1;
	_ =	strace $0x80000047  }
0xb: {  	s6 =	ssub.s32 $0x2, s4;
	s24 =	sor.u32 s4, s5;
	s4 =	sadd.s32 $0x4E2, s1  }
0xc: {  	s5 =	sadd.s32 $0x9C4, s1;
	s31 =	sshrl.u32 s6, $0x1;
	p0 =	seq.s32 s24, $0x1F  }
0xd: {  	v1 =	vlaneseq.u32;
	v3 =	vimm.s32 $0x0;
	s16 =	smul.u32 $0x7A10, s24;
	s15 =	ssub.s32 s6, s31;
	s18 =	simm.s32 @!p0 $0x7A10  }
0xe: {  	v4 =	vor.u32 $0x2710, v1;
	v5 =	vor.u32 $0x4E20, v1;
	v6 =	vor.u32 $0x7530, v1;
	s6 =	sadd.s32 $0xEA6, s1;
	p0 =	sne.s32 s24, $0x1F;
	s24 =	simm.s32 $0x5  }
0xf: {  	v7 =	vor.u32 $0x9C40, v1;
	v8 =	vor.u32 $0xC350, v1;
	s13 =	sshrl.u32 s16, $0x3;
	v0 =	vmov s16;
	s15 =	smax.u32 s15, $0x1;
	s16 =	simm.s32 $0x2780  }
0x10: {  	v9 =	vor.u32 $0xEA60, v1;
	v10 =	vor.u32 $0x11170, v1;
	v2 =	vmov s18;
	s18 =	simm.s32 $0x1;
	s13 =	sadd.s32 s14, s13;
	s14 =	sadd.s32 $0x1E840, s14  }
.LBB2_1:
0x11: {  	[tilespmem:s3], [sflag:$0x1] =	stream.linear.gather [hbm4b:s1+s3], $0x2710, $0x38;
	[tilespmem:$0x11880] =	vst v63  }
0x12: {  	_ = 	snop  }
0x13: {  	[tilespmem:s16], [sflag:$0x2] =	stream.linear.gather [hbm4b:s4+s3], $0x2710, $0x38;
	[tilespmem:$0x11880] =	vst v63  }
0x14: {  	s26 =	simm.s32 $0x9E50  }
0x15: {  	[tilespmem:s17], [sflag:$0x3] =	stream.linear.gather [hbm4b:s5+s3], $0x2710, $0x38;
	[tilespmem:$0x11880] =	vst v63  }
0x16: {  	[tilespmem:s26+$0xFFFFFFC0] =	vst v3  }
0x17: {  	[tilespmem:s26+$0xFFFFFFD0] =	vst v3  }
0x18: {  	[tilespmem:s26+$0xFFFFFFE0] =	vst v3  }
0x19: {  	[tilespmem:s26+$0xFFFFFFF0] =	vst v3  }
0x1a: {  	[tilespmem:s26+$0x0] =	vst v3  }
0x1b: {  	[tilespmem:s26+$0x10] =	vst v3  }
0x1c: {  	[tilespmem:s26+$0x20] =	vst v3  }
0x1d: {  	s29 =	sand.u32 $0xFFF0, s3;
	s28 =	simm.s32 $0xB0;
	[tilespmem:s26+$0xFFFFFFB0] =	vst v3  }
.LBB2_2:
0x1e: {  	p1 =	sne.s32 s28, $0x79B0;
	[tilespmem:s29+$0x9E80] =	vst v3  }
0x1f: {  	[tilespmem:s26+$0x40] =	vst v3  }
0x20: {  	[tilespmem:s26+$0x50] =	vst v3;
	s26 =	sadd.s32 $0xB0, s26  }
0x21: {  	[tilespmem:s26+$0xFFFFFFC0] =	vst v3  }
0x22: {  	[tilespmem:s26+$0xFFFFFFD0] =	vst v3  }
0x23: {  	[tilespmem:s26+$0xFFFFFFE0] =	vst v3  }
.Ltmp0:
0x24: {  	[tilespmem:s26+$0xFFFFFFF0] =	vst v3;
	(pc) =	sbr.rel @p1 .LBB2_2-.Ltmp0, $4  }
0x25: {  	[tilespmem:s26+$0x0] =	vst v3  }
0x26: {  	[tilespmem:s26+$0x10] =	vst v3  }
0x27: {  	[tilespmem:s26+$0x20] =	vst v3  }
0x28: {  	s29 =	sand.u32 $0xFFF0, s28;
	s28 =	sadd.s32 $0xB0, s28;
	[tilespmem:s26+$0xFFFFFFB0] =	vst v3  }
0x29: {  	[tilespmem:s29+$0x9E80] =	vst v3  }
0x2a: {  	[tilespmem:s26+$0x40] =	vst v3  }
0x2b: {  	[tilespmem:s26+$0x50] =	vst v3  }
0x2c: {  	_ =	swait.ge [sflag:s18], $0x2710  }
0x2d: {  	[sflag:s18] =	ssyncset.done $0x0  }
0x2e: {  	s30 =	simm.s32 $0x0;
	s31 =	simm.s32 $0x0;
	[sflag:s18] =	ssyncadd.s32 $0xFFFFD8F0  }
0x2f: {  	[tilespmem:s19], [sflag:$0x4] =	stream.linear.gather [hbm4b:s6+s30], $0x2710, $0x38;
	[tilespmem:$0x11880] =	vst v63  }
0x30: {  	v11 =	vld [tilespmem:s31+$0x0]  }
0x31: {  	v12 =	vld [tilespmem:s31+$0x10];
	_ =	sdelay $0x3  }
0x32: {  	v13 =	vld [tilespmem:s31+$0x20];
	v15 =	vsub.s32 v11, v0  }
0x33: {  	v14 =	vld [tilespmem:s31+$0x30];
	v12 =	vsub.s32 v12, v0;
	vm0 =	vlt.u32 v15, v2  }
0x34: {  	vm1 =	vlt.u32 v12, v2  }
0x35: {  	v16 =	vld [tilespmem:s31+$0x40];
	_ =	sdelay $0x1  }
0x36: {  	v13 =	vsub.s32 v13, v0  }
0x37: {  	v14 =	vsub.s32 v14, v0;
	v11 =	vlaneseq.u32;
	vm2 =	vlt.u32 v13, v2  }
0x38: {  	vm3 =	vlt.u32 v14, v2;
	v17 =	vadd.s32 $0x10, v11;
	[tilespmem:v15+s20+$0x0] =	vst.idx.msk vm0, v11  }
0x39: {  	[tilespmem:v12+s20+$0x0] =	vst.idx.msk vm1, v17;
	v12 =	vsub.s32 v16, v0  }
0x3a: {  	vm0 =	vlt.u32 v12, v2;
	_ =	sdelay $0x1  }
0x3b: {  	v15 =	vadd.s32 $0x20, v11  }
0x3c: {  	v63 =	vadd.s32 $0x30, v11;
	[tilespmem:v13+s20+$0x0] =	vst.idx.msk vm2, v15  }
0x3d: {  	s28 =	simm.s32 $0x140;
	s26 =	simm.s32 $0x280;
	v13 =	vadd.s32 $0x40, v11;
	[tilespmem:v14+s20+$0x0] =	vst.idx.msk vm3, v63  }
.LBB2_4:
0x3e: {  	p1 =	sne.s32 s26, $0x9B00  }
0x3f: {  	s29 =	sshra.s32 s28, $0x2;
	v11 =	vadd.s32 $0x50, v11;
	[tilespmem:v12+s20+$0x0] =	vst.idx.msk vm0, v13;
	s28 =	smov.u32 s26;
	s26 =	sadd.s32 $0x140, s26  }
0x40: {  	v12 =	vld [tilespmem:s29+$0x0]  }
0x41: {  	v13 =	vld [tilespmem:s29+$0x10]  }
0x42: {  	v14 =	vld [tilespmem:s29+$0x20]  }
0x43: {  	v15 =	vld [tilespmem:s29+$0x30]  }
0x44: {  	v16 =	vld [tilespmem:s29+$0x40]  }
0x45: {  	v17 =	vsub.s32 v12, v0  }
0x46: {  	vm1 =	vlt.u32 v17, v2;
	v13 =	vsub.s32 v13, v0  }
0x47: {  	vm2 =	vlt.u32 v13, v2;
	v14 =	vsub.s32 v14, v0  }
0x48: {  	vm3 =	vlt.u32 v14, v2;
	v15 =	vsub.s32 v15, v0  }
0x49: {  	vm4 =	vlt.u32 v15, v2;
	v12 =	vsub.s32 v16, v0  }
0x4a: {  	vm0 =	vlt.u32 v12, v2  }
.Ltmp1:
0x4b: {  	(pc) =	sbr.rel @p1 .LBB2_4-.Ltmp1, $4  }
0x4c: {  	v16 =	vadd.s32 $0x10, v11;
	[tilespmem:v17+s20+$0x0] =	vst.idx.msk vm1, v11  }
0x4d: {  	v17 =	vadd.s32 $0x20, v11;
	[tilespmem:v13+s20+$0x0] =	vst.idx.msk vm2, v16  }
0x4e: {  	v16 =	vadd.s32 $0x30, v11;
	[tilespmem:v14+s20+$0x0] =	vst.idx.msk vm3, v17  }
0x4f: {  	v13 =	vadd.s32 $0x40, v11;
	[tilespmem:v15+s20+$0x0] =	vst.idx.msk vm4, v16  }
0x50: {  	_ =	sdelay $0x4  }
0x51: {  	s26 =	sshra.s32 s28, $0x2;
	[tilespmem:v12+s20+$0x0] =	vst.idx.msk vm0, v13  }
0x52: {  	v12 =	vld [tilespmem:s26+$0x0]  }
0x53: {  	v13 =	vld [tilespmem:s26+$0x10]  }
0x54: {  	v14 =	vld [tilespmem:s26+$0x20]  }
0x55: {  	v15 =	vld [tilespmem:s26+$0x30]  }
0x56: {  	v16 =	vld [tilespmem:s26+$0x40]  }
0x57: {  	v12 =	vsub.s32 v12, v0  }
0x58: {  	v13 =	vsub.s32 v13, v0;
	vm0 =	vlt.u32 v12, v2  }
0x59: {  	v14 =	vsub.s32 v14, v0;
	vm1 =	vlt.u32 v13, v2  }
0x5a: {  	v15 =	vsub.s32 v15, v0;
	vm2 =	vlt.u32 v14, v2  }
0x5b: {  	v16 =	vsub.s32 v16, v0;
	vm3 =	vlt.u32 v15, v2  }
0x5c: {  	vm4 =	vlt.u32 v16, v2  }
0x5d: {  	v11 =	vadd.s32 $0x50, v11  }
0x5e: {  	v17 =	vadd.s32 $0x10, v11;
	[tilespmem:v12+s20+$0x0] =	vst.idx.msk vm0, v11  }
0x5f: {  	v12 =	vadd.s32 $0x20, v11;
	[tilespmem:v13+s20+$0x0] =	vst.idx.msk vm1, v17  }
0x60: {  	v13 =	vadd.s32 $0x30, v11;
	[tilespmem:v14+s20+$0x0] =	vst.idx.msk vm2, v12  }
0x61: {  	v11 =	vadd.s32 $0x40, v11;
	[tilespmem:v15+s20+$0x0] =	vst.idx.msk vm3, v13  }
0x62: {  	[tilespmem:v16+s20+$0x0] =	vst.idx.msk vm4, v11  }
0x63: {  	_ =	swait.ge [sflag:s21], $0x2710  }
0x64: {  	[sflag:s21] =	ssyncset.done $0x0  }
0x65: {  	s30 =	simm.s32 $0x0;
	s31 =	simm.s32 $0x0;
	[sflag:s21] =	ssyncadd.s32 $0xFFFFD8F0  }
0x66: {  	[tilespmem:s30], [sflag:$0x1] =	stream.linear.gather [hbm4b:s7+s30], $0x2710, $0x38;
	[tilespmem:$0x11880] =	vst v63  }
0x67: {  	v11 =	vld [tilespmem:s31+$0x2780]  }
0x68: {  	v12 =	vld [tilespmem:s31+$0x2790];
	_ =	sdelay $0x3  }
0x69: {  	v13 =	vld [tilespmem:s31+$0x27A0];
	v11 =	vsub.s32 v11, v0  }
0x6a: {  	v14 =	vld [tilespmem:s31+$0x27B0];
	v12 =	vsub.s32 v12, v0;
	vm0 =	vlt.u32 v11, v2  }
0x6b: {  	vm1 =	vlt.u32 v12, v2  }
0x6c: {  	v15 =	vld [tilespmem:s31+$0x27C0];
	_ =	sdelay $0x1  }
0x6d: {  	v13 =	vsub.s32 v13, v0  }
0x6e: {  	v14 =	vsub.s32 v14, v0;
	vm2 =	vlt.u32 v13, v2  }
0x6f: {  	v63 =	vadd.s32 $0x10, v4;
	vm3 =	vlt.u32 v14, v2;
	[tilespmem:v11+s20+$0x0] =	vst.idx.msk vm0, v4  }
0x70: {  	[tilespmem:v12+s20+$0x0] =	vst.idx.msk vm1, v63;
	v12 =	vsub.s32 v15, v0  }
0x71: {  	vm0 =	vlt.u32 v12, v2  }
0x72: {  	v11 =	vadd.s32 $0x20, v4;
	_ =	sdelay $0x1  }
0x73: {  	v15 =	vadd.s32 $0x30, v4;
	[tilespmem:v13+s20+$0x0] =	vst.idx.msk vm2, v11  }
0x74: {  	s28 =	simm.s32 $0x140;
	s26 =	simm.s32 $0x280;
	v13 =	vadd.s32 $0x40, v4;
	[tilespmem:v14+s20+$0x0] =	vst.idx.msk vm3, v15;
	v11 =	vmov v4  }
.LBB2_6:
0x75: {  	p1 =	sne.s32 s26, $0x9B00  }
0x76: {  	s29 =	sshra.s32 s28, $0x2;
	v11 =	vadd.s32 $0x50, v11;
	[tilespmem:v12+s20+$0x0] =	vst.idx.msk vm0, v13;
	s28 =	smov.u32 s26;
	s26 =	sadd.s32 $0x140, s26  }
0x77: {  	v12 =	vld [tilespmem:s29+$0x2780]  }
0x78: {  	v13 =	vld [tilespmem:s29+$0x2790]  }
0x79: {  	v14 =	vld [tilespmem:s29+$0x27A0]  }
0x7a: {  	v15 =	vld [tilespmem:s29+$0x27B0]  }
0x7b: {  	v16 =	vld [tilespmem:s29+$0x27C0]  }
0x7c: {  	v17 =	vsub.s32 v12, v0  }
0x7d: {  	vm1 =	vlt.u32 v17, v2;
	v13 =	vsub.s32 v13, v0  }
0x7e: {  	vm2 =	vlt.u32 v13, v2;
	v14 =	vsub.s32 v14, v0  }
0x7f: {  	vm3 =	vlt.u32 v14, v2;
	v15 =	vsub.s32 v15, v0  }
0x80: {  	vm4 =	vlt.u32 v15, v2;
	v12 =	vsub.s32 v16, v0  }
0x81: {  	vm0 =	vlt.u32 v12, v2  }
.Ltmp2:
0x82: {  	(pc) =	sbr.rel @p1 .LBB2_6-.Ltmp2, $4  }
0x83: {  	v16 =	vadd.s32 $0x10, v11;
	[tilespmem:v17+s20+$0x0] =	vst.idx.msk vm1, v11  }
0x84: {  	v17 =	vadd.s32 $0x20, v11;
	[tilespmem:v13+s20+$0x0] =	vst.idx.msk vm2, v16  }
0x85: {  	v16 =	vadd.s32 $0x30, v11;
	[tilespmem:v14+s20+$0x0] =	vst.idx.msk vm3, v17  }
0x86: {  	v13 =	vadd.s32 $0x40, v11;
	[tilespmem:v15+s20+$0x0] =	vst.idx.msk vm4, v16  }
0x87: {  	_ =	sdelay $0x4  }
0x88: {  	s26 =	sshra.s32 s28, $0x2;
	[tilespmem:v12+s20+$0x0] =	vst.idx.msk vm0, v13  }
0x89: {  	v12 =	vld [tilespmem:s26+$0x2780]  }
0x8a: {  	v13 =	vld [tilespmem:s26+$0x2790]  }
0x8b: {  	v14 =	vld [tilespmem:s26+$0x27A0]  }
0x8c: {  	v15 =	vld [tilespmem:s26+$0x27B0]  }
0x8d: {  	v16 =	vld [tilespmem:s26+$0x27C0]  }
0x8e: {  	v12 =	vsub.s32 v12, v0  }
0x8f: {  	v13 =	vsub.s32 v13, v0;
	vm0 =	vlt.u32 v12, v2  }
0x90: {  	v14 =	vsub.s32 v14, v0;
	vm1 =	vlt.u32 v13, v2  }
0x91: {  	v15 =	vsub.s32 v15, v0;
	vm2 =	vlt.u32 v14, v2  }
0x92: {  	v16 =	vsub.s32 v16, v0;
	vm3 =	vlt.u32 v15, v2  }
0x93: {  	vm4 =	vlt.u32 v16, v2  }
0x94: {  	v11 =	vadd.s32 $0x50, v11  }
0x95: {  	v17 =	vadd.s32 $0x10, v11;
	[tilespmem:v12+s20+$0x0] =	vst.idx.msk vm0, v11  }
0x96: {  	v12 =	vadd.s32 $0x20, v11;
	[tilespmem:v13+s20+$0x0] =	vst.idx.msk vm1, v17  }
0x97: {  	v13 =	vadd.s32 $0x30, v11;
	[tilespmem:v14+s20+$0x0] =	vst.idx.msk vm2, v12  }
0x98: {  	v11 =	vadd.s32 $0x40, v11;
	[tilespmem:v15+s20+$0x0] =	vst.idx.msk vm3, v13  }
0x99: {  	[tilespmem:v16+s20+$0x0] =	vst.idx.msk vm4, v11  }
0x9a: {  	_ =	swait.ge [sflag:s22], $0x2710  }
0x9b: {  	[sflag:s22] =	ssyncset.done $0x0  }
0x9c: {  	s30 =	simm.s32 $0x0;
	s31 =	simm.s32 $0x0;
	[sflag:s22] =	ssyncadd.s32 $0xFFFFD8F0  }
0x9d: {  	[tilespmem:s16], [sflag:$0x2] =	stream.linear.gather [hbm4b:s8+s30], $0x2710, $0x38;
	[tilespmem:$0x11880] =	vst v63  }
0x9e: {  	v11 =	vld [tilespmem:s31+$0x4F00]  }
0x9f: {  	v12 =	vld [tilespmem:s31+$0x4F10];
	_ =	sdelay $0x3  }
0xa0: {  	v13 =	vld [tilespmem:s31+$0x4F20];
	v11 =	vsub.s32 v11, v0  }
0xa1: {  	v14 =	vld [tilespmem:s31+$0x4F30];
	v12 =	vsub.s32 v12, v0;
	vm0 =	vlt.u32 v11, v2  }
0xa2: {  	vm1 =	vlt.u32 v12, v2  }
0xa3: {  	v15 =	vld [tilespmem:s31+$0x4F40];
	_ =	sdelay $0x1  }
0xa4: {  	v13 =	vsub.s32 v13, v0  }
0xa5: {  	v14 =	vsub.s32 v14, v0;
	vm2 =	vlt.u32 v13, v2  }
0xa6: {  	v63 =	vadd.s32 $0x10, v5;
	vm3 =	vlt.u32 v14, v2;
	[tilespmem:v11+s20+$0x0] =	vst.idx.msk vm0, v5  }
0xa7: {  	[tilespmem:v12+s20+$0x0] =	vst.idx.msk vm1, v63;
	v12 =	vsub.s32 v15, v0  }
0xa8: {  	vm0 =	vlt.u32 v12, v2  }
0xa9: {  	v11 =	vadd.s32 $0x20, v5;
	_ =	sdelay $0x1  }
0xaa: {  	v15 =	vadd.s32 $0x30, v5;
	[tilespmem:v13+s20+$0x0] =	vst.idx.msk vm2, v11  }
0xab: {  	s28 =	simm.s32 $0x140;
	s26 =	simm.s32 $0x280;
	v13 =	vadd.s32 $0x40, v5;
	[tilespmem:v14+s20+$0x0] =	vst.idx.msk vm3, v15;
	v11 =	vmov v5  }
.LBB2_8:
0xac: {  	p1 =	sne.s32 s26, $0x9B00  }
0xad: {  	s29 =	sshra.s32 s28, $0x2;
	v11 =	vadd.s32 $0x50, v11;
	[tilespmem:v12+s20+$0x0] =	vst.idx.msk vm0, v13;
	s28 =	smov.u32 s26;
	s26 =	sadd.s32 $0x140, s26  }
0xae: {  	v12 =	vld [tilespmem:s29+$0x4F00]  }
0xaf: {  	v13 =	vld [tilespmem:s29+$0x4F10]  }
0xb0: {  	v14 =	vld [tilespmem:s29+$0x4F20]  }
0xb1: {  	v15 =	vld [tilespmem:s29+$0x4F30]  }
0xb2: {  	v16 =	vld [tilespmem:s29+$0x4F40]  }
0xb3: {  	v17 =	vsub.s32 v12, v0  }
0xb4: {  	vm1 =	vlt.u32 v17, v2;
	v13 =	vsub.s32 v13, v0  }
0xb5: {  	vm2 =	vlt.u32 v13, v2;
	v14 =	vsub.s32 v14, v0  }
0xb6: {  	vm3 =	vlt.u32 v14, v2;
	v15 =	vsub.s32 v15, v0  }
0xb7: {  	vm4 =	vlt.u32 v15, v2;
	v12 =	vsub.s32 v16, v0  }
0xb8: {  	vm0 =	vlt.u32 v12, v2  }
.Ltmp3:
0xb9: {  	(pc) =	sbr.rel @p1 .LBB2_8-.Ltmp3, $4  }
0xba: {  	v16 =	vadd.s32 $0x10, v11;
	[tilespmem:v17+s20+$0x0] =	vst.idx.msk vm1, v11  }
0xbb: {  	v17 =	vadd.s32 $0x20, v11;
	[tilespmem:v13+s20+$0x0] =	vst.idx.msk vm2, v16  }
0xbc: {  	v16 =	vadd.s32 $0x30, v11;
	[tilespmem:v14+s20+$0x0] =	vst.idx.msk vm3, v17  }
0xbd: {  	v13 =	vadd.s32 $0x40, v11;
	[tilespmem:v15+s20+$0x0] =	vst.idx.msk vm4, v16  }
0xbe: {  	_ =	sdelay $0x4  }
0xbf: {  	s26 =	sshra.s32 s28, $0x2;
	[tilespmem:v12+s20+$0x0] =	vst.idx.msk vm0, v13  }
0xc0: {  	v12 =	vld [tilespmem:s26+$0x4F00]  }
0xc1: {  	v13 =	vld [tilespmem:s26+$0x4F10]  }
0xc2: {  	v14 =	vld [tilespmem:s26+$0x4F20]  }
0xc3: {  	v15 =	vld [tilespmem:s26+$0x4F30]  }
0xc4: {  	v16 =	vld [tilespmem:s26+$0x4F40]  }
0xc5: {  	v12 =	vsub.s32 v12, v0  }
0xc6: {  	v13 =	vsub.s32 v13, v0;
	vm0 =	vlt.u32 v12, v2  }
0xc7: {  	v14 =	vsub.s32 v14, v0;
	vm1 =	vlt.u32 v13, v2  }
0xc8: {  	v15 =	vsub.s32 v15, v0;
	vm2 =	vlt.u32 v14, v2  }
0xc9: {  	v16 =	vsub.s32 v16, v0;
	vm3 =	vlt.u32 v15, v2  }
0xca: {  	vm4 =	vlt.u32 v16, v2  }
0xcb: {  	v11 =	vadd.s32 $0x50, v11  }
0xcc: {  	v17 =	vadd.s32 $0x10, v11;
	[tilespmem:v12+s20+$0x0] =	vst.idx.msk vm0, v11  }
0xcd: {  	v12 =	vadd.s32 $0x20, v11;
	[tilespmem:v13+s20+$0x0] =	vst.idx.msk vm1, v17  }
0xce: {  	v13 =	vadd.s32 $0x30, v11;
	[tilespmem:v14+s20+$0x0] =	vst.idx.msk vm2, v12  }
0xcf: {  	v11 =	vadd.s32 $0x40, v11;
	[tilespmem:v15+s20+$0x0] =	vst.idx.msk vm3, v13  }
0xd0: {  	[tilespmem:v16+s20+$0x0] =	vst.idx.msk vm4, v11  }
0xd1: {  	_ =	swait.ge [sflag:s23], $0x2710  }
0xd2: {  	[sflag:s23] =	ssyncset.done $0x0  }
0xd3: {  	s30 =	simm.s32 $0x0;
	s31 =	simm.s32 $0x0;
	[sflag:s23] =	ssyncadd.s32 $0xFFFFD8F0  }
0xd4: {  	[tilespmem:s17], [sflag:$0x3] =	stream.linear.gather [hbm4b:s9+s30], $0x2710, $0x38;
	[tilespmem:$0x11880] =	vst v63  }
0xd5: {  	v11 =	vld [tilespmem:s31+$0x7680]  }
0xd6: {  	v12 =	vld [tilespmem:s31+$0x7690];
	_ =	sdelay $0x3  }
0xd7: {  	v13 =	vld [tilespmem:s31+$0x76A0];
	v11 =	vsub.s32 v11, v0  }
0xd8: {  	v14 =	vld [tilespmem:s31+$0x76B0];
	v12 =	vsub.s32 v12, v0;
	vm0 =	vlt.u32 v11, v2  }
0xd9: {  	vm1 =	vlt.u32 v12, v2  }
0xda: {  	v15 =	vld [tilespmem:s31+$0x76C0];
	_ =	sdelay $0x1  }
0xdb: {  	v13 =	vsub.s32 v13, v0  }
0xdc: {  	v14 =	vsub.s32 v14, v0;
	vm2 =	vlt.u32 v13, v2  }
0xdd: {  	v63 =	vadd.s32 $0x10, v6;
	vm3 =	vlt.u32 v14, v2;
	[tilespmem:v11+s20+$0x0] =	vst.idx.msk vm0, v6  }
0xde: {  	[tilespmem:v12+s20+$0x0] =	vst.idx.msk vm1, v63;
	v12 =	vsub.s32 v15, v0  }
0xdf: {  	vm0 =	vlt.u32 v12, v2  }
0xe0: {  	v11 =	vadd.s32 $0x20, v6;
	_ =	sdelay $0x1  }
0xe1: {  	v15 =	vadd.s32 $0x30, v6;
	[tilespmem:v13+s20+$0x0] =	vst.idx.msk vm2, v11  }
0xe2: {  	s28 =	simm.s32 $0x140;
	s26 =	simm.s32 $0x280;
	v13 =	vadd.s32 $0x40, v6;
	[tilespmem:v14+s20+$0x0] =	vst.idx.msk vm3, v15;
	v11 =	vmov v6  }
.LBB2_10:
0xe3: {  	p1 =	sne.s32 s26, $0x9B00  }
0xe4: {  	s29 =	sshra.s32 s28, $0x2;
	v11 =	vadd.s32 $0x50, v11;
	[tilespmem:v12+s20+$0x0] =	vst.idx.msk vm0, v13;
	s28 =	smov.u32 s26;
	s26 =	sadd.s32 $0x140, s26  }
0xe5: {  	v12 =	vld [tilespmem:s29+$0x7680]  }
0xe6: {  	v13 =	vld [tilespmem:s29+$0x7690]  }
0xe7: {  	v14 =	vld [tilespmem:s29+$0x76A0]  }
0xe8: {  	v15 =	vld [tilespmem:s29+$0x76B0]  }
0xe9: {  	v16 =	vld [tilespmem:s29+$0x76C0]  }
0xea: {  	v17 =	vsub.s32 v12, v0  }
0xeb: {  	vm1 =	vlt.u32 v17, v2;
	v13 =	vsub.s32 v13, v0  }
0xec: {  	vm2 =	vlt.u32 v13, v2;
	v14 =	vsub.s32 v14, v0  }
0xed: {  	vm3 =	vlt.u32 v14, v2;
	v15 =	vsub.s32 v15, v0  }
0xee: {  	vm4 =	vlt.u32 v15, v2;
	v12 =	vsub.s32 v16, v0  }
0xef: {  	vm0 =	vlt.u32 v12, v2  }
.Ltmp4:
0xf0: {  	(pc) =	sbr.rel @p1 .LBB2_10-.Ltmp4, $4  }
0xf1: {  	v16 =	vadd.s32 $0x10, v11;
	[tilespmem:v17+s20+$0x0] =	vst.idx.msk vm1, v11  }
0xf2: {  	v17 =	vadd.s32 $0x20, v11;
	[tilespmem:v13+s20+$0x0] =	vst.idx.msk vm2, v16  }
0xf3: {  	v16 =	vadd.s32 $0x30, v11;
	[tilespmem:v14+s20+$0x0] =	vst.idx.msk vm3, v17  }
0xf4: {  	v13 =	vadd.s32 $0x40, v11;
	[tilespmem:v15+s20+$0x0] =	vst.idx.msk vm4, v16  }
0xf5: {  	_ =	sdelay $0x4  }
0xf6: {  	s26 =	sshra.s32 s28, $0x2;
	[tilespmem:v12+s20+$0x0] =	vst.idx.msk vm0, v13  }
0xf7: {  	v12 =	vld [tilespmem:s26+$0x7680]  }
0xf8: {  	v13 =	vld [tilespmem:s26+$0x7690]  }
0xf9: {  	v14 =	vld [tilespmem:s26+$0x76A0]  }
0xfa: {  	v15 =	vld [tilespmem:s26+$0x76B0]  }
0xfb: {  	v16 =	vld [tilespmem:s26+$0x76C0]  }
0xfc: {  	v12 =	vsub.s32 v12, v0  }
0xfd: {  	v13 =	vsub.s32 v13, v0;
	vm0 =	vlt.u32 v12, v2  }
0xfe: {  	v14 =	vsub.s32 v14, v0;
	vm1 =	vlt.u32 v13, v2  }
0xff: {  	v15 =	vsub.s32 v15, v0;
	vm2 =	vlt.u32 v14, v2  }
0x100: {  	v16 =	vsub.s32 v16, v0;
	vm3 =	vlt.u32 v15, v2  }
0x101: {  	vm4 =	vlt.u32 v16, v2  }
0x102: {  	v11 =	vadd.s32 $0x50, v11  }
0x103: {  	v17 =	vadd.s32 $0x10, v11;
	[tilespmem:v12+s20+$0x0] =	vst.idx.msk vm0, v11  }
0x104: {  	v12 =	vadd.s32 $0x20, v11;
	[tilespmem:v13+s20+$0x0] =	vst.idx.msk vm1, v17  }
0x105: {  	v13 =	vadd.s32 $0x30, v11;
	[tilespmem:v14+s20+$0x0] =	vst.idx.msk vm2, v12  }
0x106: {  	v11 =	vadd.s32 $0x40, v11;
	[tilespmem:v15+s20+$0x0] =	vst.idx.msk vm3, v13  }
0x107: {  	[tilespmem:v16+s20+$0x0] =	vst.idx.msk vm4, v11  }
0x108: {  	_ =	swait.ge [sflag:s18], $0x2710  }
0x109: {  	[sflag:s18] =	ssyncset.done $0x0  }
0x10a: {  	s30 =	simm.s32 $0x0;
	s31 =	simm.s32 $0x0;
	[sflag:s18] =	ssyncadd.s32 $0xFFFFD8F0  }
0x10b: {  	[tilespmem:s19], [sflag:$0x4] =	stream.linear.gather [hbm4b:s10+s30], $0x2710, $0x38;
	[tilespmem:$0x11880] =	vst v63  }
0x10c: {  	v11 =	vld [tilespmem:s31+$0x0]  }
0x10d: {  	v12 =	vld [tilespmem:s31+$0x10];
	_ =	sdelay $0x3  }
0x10e: {  	v13 =	vld [tilespmem:s31+$0x20];
	v11 =	vsub.s32 v11, v0  }
0x10f: {  	v14 =	vld [tilespmem:s31+$0x30];
	v12 =	vsub.s32 v12, v0;
	vm0 =	vlt.u32 v11, v2  }
0x110: {  	vm1 =	vlt.u32 v12, v2  }
0x111: {  	v15 =	vld [tilespmem:s31+$0x40];
	_ =	sdelay $0x1  }
0x112: {  	v13 =	vsub.s32 v13, v0  }
0x113: {  	v14 =	vsub.s32 v14, v0;
	vm2 =	vlt.u32 v13, v2  }
0x114: {  	v63 =	vadd.s32 $0x10, v7;
	vm3 =	vlt.u32 v14, v2;
	[tilespmem:v11+s20+$0x0] =	vst.idx.msk vm0, v7  }
0x115: {  	[tilespmem:v12+s20+$0x0] =	vst.idx.msk vm1, v63;
	v12 =	vsub.s32 v15, v0  }
0x116: {  	vm0 =	vlt.u32 v12, v2  }
0x117: {  	v11 =	vadd.s32 $0x20, v7;
	_ =	sdelay $0x1  }
0x118: {  	v15 =	vadd.s32 $0x30, v7;
	[tilespmem:v13+s20+$0x0] =	vst.idx.msk vm2, v11  }
0x119: {  	s28 =	simm.s32 $0x140;
	s26 =	simm.s32 $0x280;
	v13 =	vadd.s32 $0x40, v7;
	[tilespmem:v14+s20+$0x0] =	vst.idx.msk vm3, v15;
	v11 =	vmov v7  }
.LBB2_12:
0x11a: {  	p1 =	sne.s32 s26, $0x9B00  }
0x11b: {  	s29 =	sshra.s32 s28, $0x2;
	v11 =	vadd.s32 $0x50, v11;
	[tilespmem:v12+s20+$0x0] =	vst.idx.msk vm0, v13;
	s28 =	smov.u32 s26;
	s26 =	sadd.s32 $0x140, s26  }
0x11c: {  	v12 =	vld [tilespmem:s29+$0x0]  }
0x11d: {  	v13 =	vld [tilespmem:s29+$0x10]  }
0x11e: {  	v14 =	vld [tilespmem:s29+$0x20]  }
0x11f: {  	v15 =	vld [tilespmem:s29+$0x30]  }
0x120: {  	v16 =	vld [tilespmem:s29+$0x40]  }
0x121: {  	v17 =	vsub.s32 v12, v0  }
0x122: {  	vm1 =	vlt.u32 v17, v2;
	v13 =	vsub.s32 v13, v0  }
0x123: {  	vm2 =	vlt.u32 v13, v2;
	v14 =	vsub.s32 v14, v0  }
0x124: {  	vm3 =	vlt.u32 v14, v2;
	v15 =	vsub.s32 v15, v0  }
0x125: {  	vm4 =	vlt.u32 v15, v2;
	v12 =	vsub.s32 v16, v0  }
0x126: {  	vm0 =	vlt.u32 v12, v2  }
.Ltmp5:
0x127: {  	(pc) =	sbr.rel @p1 .LBB2_12-.Ltmp5, $4  }
0x128: {  	v16 =	vadd.s32 $0x10, v11;
	[tilespmem:v17+s20+$0x0] =	vst.idx.msk vm1, v11  }
0x129: {  	v17 =	vadd.s32 $0x20, v11;
	[tilespmem:v13+s20+$0x0] =	vst.idx.msk vm2, v16  }
0x12a: {  	v16 =	vadd.s32 $0x30, v11;
	[tilespmem:v14+s20+$0x0] =	vst.idx.msk vm3, v17  }
0x12b: {  	v13 =	vadd.s32 $0x40, v11;
	[tilespmem:v15+s20+$0x0] =	vst.idx.msk vm4, v16  }
0x12c: {  	_ =	sdelay $0x4  }
0x12d: {  	s26 =	sshra.s32 s28, $0x2;
	[tilespmem:v12+s20+$0x0] =	vst.idx.msk vm0, v13  }
0x12e: {  	v12 =	vld [tilespmem:s26+$0x0]  }
0x12f: {  	v13 =	vld [tilespmem:s26+$0x10]  }
0x130: {  	v14 =	vld [tilespmem:s26+$0x20]  }
0x131: {  	v15 =	vld [tilespmem:s26+$0x30]  }
0x132: {  	v16 =	vld [tilespmem:s26+$0x40]  }
0x133: {  	v12 =	vsub.s32 v12, v0  }
0x134: {  	v13 =	vsub.s32 v13, v0;
	vm0 =	vlt.u32 v12, v2  }
0x135: {  	v14 =	vsub.s32 v14, v0;
	vm1 =	vlt.u32 v13, v2  }
0x136: {  	v15 =	vsub.s32 v15, v0;
	vm2 =	vlt.u32 v14, v2  }
0x137: {  	v16 =	vsub.s32 v16, v0;
	vm3 =	vlt.u32 v15, v2  }
0x138: {  	vm4 =	vlt.u32 v16, v2  }
0x139: {  	v11 =	vadd.s32 $0x50, v11  }
0x13a: {  	v17 =	vadd.s32 $0x10, v11;
	[tilespmem:v12+s20+$0x0] =	vst.idx.msk vm0, v11  }
0x13b: {  	v12 =	vadd.s32 $0x20, v11;
	[tilespmem:v13+s20+$0x0] =	vst.idx.msk vm1, v17  }
0x13c: {  	v13 =	vadd.s32 $0x30, v11;
	[tilespmem:v14+s20+$0x0] =	vst.idx.msk vm2, v12  }
0x13d: {  	v11 =	vadd.s32 $0x40, v11;
	[tilespmem:v15+s20+$0x0] =	vst.idx.msk vm3, v13  }
0x13e: {  	[tilespmem:v16+s20+$0x0] =	vst.idx.msk vm4, v11  }
0x13f: {  	_ =	swait.ge [sflag:s21], $0x2710  }
0x140: {  	[sflag:s21] =	ssyncset.done $0x0  }
0x141: {  	s30 =	simm.s32 $0x0;
	s31 =	simm.s32 $0x0;
	[sflag:s21] =	ssyncadd.s32 $0xFFFFD8F0  }
0x142: {  	[tilespmem:s30], [sflag:$0x1] =	stream.linear.gather [hbm4b:s11+s30], $0x2710, $0x38;
	[tilespmem:$0x11880] =	vst v63  }
0x143: {  	v11 =	vld [tilespmem:s31+$0x2780]  }
0x144: {  	v12 =	vld [tilespmem:s31+$0x2790];
	_ =	sdelay $0x3  }
0x145: {  	v13 =	vld [tilespmem:s31+$0x27A0];
	v11 =	vsub.s32 v11, v0  }
0x146: {  	v14 =	vld [tilespmem:s31+$0x27B0];
	v12 =	vsub.s32 v12, v0;
	vm0 =	vlt.u32 v11, v2  }
0x147: {  	vm1 =	vlt.u32 v12, v2  }
0x148: {  	v15 =	vld [tilespmem:s31+$0x27C0];
	_ =	sdelay $0x1  }
0x149: {  	v13 =	vsub.s32 v13, v0  }
0x14a: {  	v14 =	vsub.s32 v14, v0;
	vm2 =	vlt.u32 v13, v2  }
0x14b: {  	v63 =	vadd.s32 $0x10, v8;
	vm3 =	vlt.u32 v14, v2;
	[tilespmem:v11+s20+$0x0] =	vst.idx.msk vm0, v8  }
0x14c: {  	[tilespmem:v12+s20+$0x0] =	vst.idx.msk vm1, v63;
	v12 =	vsub.s32 v15, v0  }
0x14d: {  	vm0 =	vlt.u32 v12, v2  }
0x14e: {  	v11 =	vadd.s32 $0x20, v8;
	_ =	sdelay $0x1  }
0x14f: {  	v15 =	vadd.s32 $0x30, v8;
	[tilespmem:v13+s20+$0x0] =	vst.idx.msk vm2, v11  }
0x150: {  	s28 =	simm.s32 $0x140;
	s26 =	simm.s32 $0x280;
	v13 =	vadd.s32 $0x40, v8;
	[tilespmem:v14+s20+$0x0] =	vst.idx.msk vm3, v15;
	v11 =	vmov v8  }
.LBB2_14:
0x151: {  	p1 =	sne.s32 s26, $0x9B00  }
0x152: {  	s29 =	sshra.s32 s28, $0x2;
	v11 =	vadd.s32 $0x50, v11;
	[tilespmem:v12+s20+$0x0] =	vst.idx.msk vm0, v13;
	s28 =	smov.u32 s26;
	s26 =	sadd.s32 $0x140, s26  }
0x153: {  	v12 =	vld [tilespmem:s29+$0x2780]  }
0x154: {  	v13 =	vld [tilespmem:s29+$0x2790]  }
0x155: {  	v14 =	vld [tilespmem:s29+$0x27A0]  }
0x156: {  	v15 =	vld [tilespmem:s29+$0x27B0]  }
0x157: {  	v16 =	vld [tilespmem:s29+$0x27C0]  }
0x158: {  	v17 =	vsub.s32 v12, v0  }
0x159: {  	vm1 =	vlt.u32 v17, v2;
	v13 =	vsub.s32 v13, v0  }
0x15a: {  	vm2 =	vlt.u32 v13, v2;
	v14 =	vsub.s32 v14, v0  }
0x15b: {  	vm3 =	vlt.u32 v14, v2;
	v15 =	vsub.s32 v15, v0  }
0x15c: {  	vm4 =	vlt.u32 v15, v2;
	v12 =	vsub.s32 v16, v0  }
0x15d: {  	vm0 =	vlt.u32 v12, v2  }
.Ltmp6:
0x15e: {  	(pc) =	sbr.rel @p1 .LBB2_14-.Ltmp6, $4  }
0x15f: {  	v16 =	vadd.s32 $0x10, v11;
	[tilespmem:v17+s20+$0x0] =	vst.idx.msk vm1, v11  }
0x160: {  	v17 =	vadd.s32 $0x20, v11;
	[tilespmem:v13+s20+$0x0] =	vst.idx.msk vm2, v16  }
0x161: {  	v16 =	vadd.s32 $0x30, v11;
	[tilespmem:v14+s20+$0x0] =	vst.idx.msk vm3, v17  }
0x162: {  	v13 =	vadd.s32 $0x40, v11;
	[tilespmem:v15+s20+$0x0] =	vst.idx.msk vm4, v16  }
0x163: {  	_ =	sdelay $0x4  }
0x164: {  	s26 =	sshra.s32 s28, $0x2;
	[tilespmem:v12+s20+$0x0] =	vst.idx.msk vm0, v13  }
0x165: {  	v12 =	vld [tilespmem:s26+$0x2780]  }
0x166: {  	v13 =	vld [tilespmem:s26+$0x2790]  }
0x167: {  	v14 =	vld [tilespmem:s26+$0x27A0]  }
0x168: {  	v15 =	vld [tilespmem:s26+$0x27B0]  }
0x169: {  	v16 =	vld [tilespmem:s26+$0x27C0]  }
0x16a: {  	v12 =	vsub.s32 v12, v0  }
0x16b: {  	v13 =	vsub.s32 v13, v0;
	vm0 =	vlt.u32 v12, v2  }
0x16c: {  	v14 =	vsub.s32 v14, v0;
	vm1 =	vlt.u32 v13, v2  }
0x16d: {  	v15 =	vsub.s32 v15, v0;
	vm2 =	vlt.u32 v14, v2  }
0x16e: {  	v16 =	vsub.s32 v16, v0;
	vm3 =	vlt.u32 v15, v2  }
0x16f: {  	vm4 =	vlt.u32 v16, v2  }
0x170: {  	v11 =	vadd.s32 $0x50, v11  }
0x171: {  	v17 =	vadd.s32 $0x10, v11;
	[tilespmem:v12+s20+$0x0] =	vst.idx.msk vm0, v11  }
0x172: {  	v12 =	vadd.s32 $0x20, v11;
	[tilespmem:v13+s20+$0x0] =	vst.idx.msk vm1, v17  }
0x173: {  	v13 =	vadd.s32 $0x30, v11;
	[tilespmem:v14+s20+$0x0] =	vst.idx.msk vm2, v12  }
0x174: {  	v11 =	vadd.s32 $0x40, v11;
	[tilespmem:v15+s20+$0x0] =	vst.idx.msk vm3, v13  }
0x175: {  	[tilespmem:v16+s20+$0x0] =	vst.idx.msk vm4, v11  }
0x176: {  	_ =	swait.ge [sflag:s22], $0x2710  }
0x177: {  	[sflag:s22] =	ssyncset.done $0x0  }
0x178: {  	s30 =	simm.s32 $0x0;
	s31 =	simm.s32 $0x0;
	[sflag:s22] =	ssyncadd.s32 $0xFFFFD8F0  }
0x179: {  	[tilespmem:s16], [sflag:$0x2] =	stream.linear.gather [hbm4b:s12+s30], $0x2710, $0x38;
	[tilespmem:$0x11880] =	vst v63  }
0x17a: {  	v11 =	vld [tilespmem:s31+$0x4F00]  }
0x17b: {  	v12 =	vld [tilespmem:s31+$0x4F10];
	_ =	sdelay $0x3  }
0x17c: {  	v13 =	vld [tilespmem:s31+$0x4F20];
	v11 =	vsub.s32 v11, v0  }
0x17d: {  	v14 =	vld [tilespmem:s31+$0x4F30];
	v12 =	vsub.s32 v12, v0;
	vm0 =	vlt.u32 v11, v2  }
0x17e: {  	vm1 =	vlt.u32 v12, v2  }
0x17f: {  	v15 =	vld [tilespmem:s31+$0x4F40];
	_ =	sdelay $0x1  }
0x180: {  	v13 =	vsub.s32 v13, v0  }
0x181: {  	v14 =	vsub.s32 v14, v0;
	vm2 =	vlt.u32 v13, v2  }
0x182: {  	v63 =	vadd.s32 $0x10, v9;
	vm3 =	vlt.u32 v14, v2;
	[tilespmem:v11+s20+$0x0] =	vst.idx.msk vm0, v9  }
0x183: {  	[tilespmem:v12+s20+$0x0] =	vst.idx.msk vm1, v63;
	v12 =	vsub.s32 v15, v0  }
0x184: {  	vm0 =	vlt.u32 v12, v2  }
0x185: {  	v11 =	vadd.s32 $0x20, v9;
	_ =	sdelay $0x1  }
0x186: {  	v15 =	vadd.s32 $0x30, v9;
	[tilespmem:v13+s20+$0x0] =	vst.idx.msk vm2, v11  }
0x187: {  	s28 =	simm.s32 $0x140;
	s26 =	simm.s32 $0x280;
	v13 =	vadd.s32 $0x40, v9;
	[tilespmem:v14+s20+$0x0] =	vst.idx.msk vm3, v15;
	v11 =	vmov v9  }
.LBB2_16:
0x188: {  	p1 =	sne.s32 s26, $0x9B00  }
0x189: {  	s29 =	sshra.s32 s28, $0x2;
	v11 =	vadd.s32 $0x50, v11;
	[tilespmem:v12+s20+$0x0] =	vst.idx.msk vm0, v13;
	s28 =	smov.u32 s26;
	s26 =	sadd.s32 $0x140, s26  }
0x18a: {  	v12 =	vld [tilespmem:s29+$0x4F00]  }
0x18b: {  	v13 =	vld [tilespmem:s29+$0x4F10]  }
0x18c: {  	v14 =	vld [tilespmem:s29+$0x4F20]  }
0x18d: {  	v15 =	vld [tilespmem:s29+$0x4F30]  }
0x18e: {  	v16 =	vld [tilespmem:s29+$0x4F40]  }
0x18f: {  	v17 =	vsub.s32 v12, v0  }
0x190: {  	vm1 =	vlt.u32 v17, v2;
	v13 =	vsub.s32 v13, v0  }
0x191: {  	vm2 =	vlt.u32 v13, v2;
	v14 =	vsub.s32 v14, v0  }
0x192: {  	vm3 =	vlt.u32 v14, v2;
	v15 =	vsub.s32 v15, v0  }
0x193: {  	vm4 =	vlt.u32 v15, v2;
	v12 =	vsub.s32 v16, v0  }
0x194: {  	vm0 =	vlt.u32 v12, v2  }
.Ltmp7:
0x195: {  	(pc) =	sbr.rel @p1 .LBB2_16-.Ltmp7, $4  }
0x196: {  	v16 =	vadd.s32 $0x10, v11;
	[tilespmem:v17+s20+$0x0] =	vst.idx.msk vm1, v11  }
0x197: {  	v17 =	vadd.s32 $0x20, v11;
	[tilespmem:v13+s20+$0x0] =	vst.idx.msk vm2, v16  }
0x198: {  	v16 =	vadd.s32 $0x30, v11;
	[tilespmem:v14+s20+$0x0] =	vst.idx.msk vm3, v17  }
0x199: {  	v13 =	vadd.s32 $0x40, v11;
	[tilespmem:v15+s20+$0x0] =	vst.idx.msk vm4, v16  }
0x19a: {  	_ =	sdelay $0x4  }
0x19b: {  	s26 =	sshra.s32 s28, $0x2;
	[tilespmem:v12+s20+$0x0] =	vst.idx.msk vm0, v13  }
0x19c: {  	v12 =	vld [tilespmem:s26+$0x4F00]  }
0x19d: {  	v13 =	vld [tilespmem:s26+$0x4F10]  }
0x19e: {  	v14 =	vld [tilespmem:s26+$0x4F20]  }
0x19f: {  	v15 =	vld [tilespmem:s26+$0x4F30]  }
0x1a0: {  	v16 =	vld [tilespmem:s26+$0x4F40]  }
0x1a1: {  	v12 =	vsub.s32 v12, v0  }
0x1a2: {  	v13 =	vsub.s32 v13, v0;
	vm0 =	vlt.u32 v12, v2  }
0x1a3: {  	v14 =	vsub.s32 v14, v0;
	vm1 =	vlt.u32 v13, v2  }
0x1a4: {  	v15 =	vsub.s32 v15, v0;
	vm2 =	vlt.u32 v14, v2  }
0x1a5: {  	v16 =	vsub.s32 v16, v0;
	vm3 =	vlt.u32 v15, v2  }
0x1a6: {  	vm4 =	vlt.u32 v16, v2  }
0x1a7: {  	v11 =	vadd.s32 $0x50, v11  }
0x1a8: {  	v17 =	vadd.s32 $0x10, v11;
	[tilespmem:v12+s20+$0x0] =	vst.idx.msk vm0, v11  }
0x1a9: {  	v12 =	vadd.s32 $0x20, v11;
	[tilespmem:v13+s20+$0x0] =	vst.idx.msk vm1, v17  }
0x1aa: {  	v13 =	vadd.s32 $0x30, v11;
	[tilespmem:v14+s20+$0x0] =	vst.idx.msk vm2, v12  }
0x1ab: {  	v11 =	vadd.s32 $0x40, v11;
	[tilespmem:v15+s20+$0x0] =	vst.idx.msk vm3, v13  }
0x1ac: {  	[tilespmem:v16+s20+$0x0] =	vst.idx.msk vm4, v11  }
0x1ad: {  	_ =	swait.ge [sflag:s23], $0x2710  }
0x1ae: {  	[sflag:s23] =	ssyncset.done $0x0  }
0x1af: {  	s31 =	simm.s32 $0x0;
	[sflag:s23] =	ssyncadd.s32 $0xFFFFD8F0  }
0x1b0: {  	v11 =	vld [tilespmem:s31+$0x7680]  }
0x1b1: {  	v12 =	vld [tilespmem:s31+$0x7690];
	_ =	sdelay $0x3  }
0x1b2: {  	v13 =	vld [tilespmem:s31+$0x76A0];
	v11 =	vsub.s32 v11, v0  }
0x1b3: {  	v14 =	vld [tilespmem:s31+$0x76B0];
	v12 =	vsub.s32 v12, v0;
	vm0 =	vlt.u32 v11, v2  }
0x1b4: {  	vm1 =	vlt.u32 v12, v2  }
0x1b5: {  	v15 =	vld [tilespmem:s31+$0x76C0];
	_ =	sdelay $0x1  }
0x1b6: {  	v13 =	vsub.s32 v13, v0  }
0x1b7: {  	v14 =	vsub.s32 v14, v0;
	vm2 =	vlt.u32 v13, v2  }
0x1b8: {  	v63 =	vadd.s32 $0x10, v10;
	vm3 =	vlt.u32 v14, v2;
	[tilespmem:v11+s20+$0x0] =	vst.idx.msk vm0, v10  }
0x1b9: {  	[tilespmem:v12+s20+$0x0] =	vst.idx.msk vm1, v63;
	v12 =	vsub.s32 v15, v0  }
0x1ba: {  	vm0 =	vlt.u32 v12, v2  }
0x1bb: {  	v11 =	vadd.s32 $0x20, v10;
	_ =	sdelay $0x1  }
0x1bc: {  	v15 =	vadd.s32 $0x30, v10;
	[tilespmem:v13+s20+$0x0] =	vst.idx.msk vm2, v11  }
0x1bd: {  	s28 =	simm.s32 $0x140;
	s26 =	simm.s32 $0x280;
	v13 =	vadd.s32 $0x40, v10;
	[tilespmem:v14+s20+$0x0] =	vst.idx.msk vm3, v15;
	v11 =	vmov v10  }
.LBB2_18:
0x1be: {  	p1 =	sne.s32 s26, $0x9B00  }
0x1bf: {  	s29 =	sshra.s32 s28, $0x2;
	v11 =	vadd.s32 $0x50, v11;
	[tilespmem:v12+s20+$0x0] =	vst.idx.msk vm0, v13;
	s28 =	smov.u32 s26;
	s26 =	sadd.s32 $0x140, s26  }
0x1c0: {  	v12 =	vld [tilespmem:s29+$0x7680]  }
0x1c1: {  	v13 =	vld [tilespmem:s29+$0x7690]  }
0x1c2: {  	v14 =	vld [tilespmem:s29+$0x76A0]  }
0x1c3: {  	v15 =	vld [tilespmem:s29+$0x76B0]  }
0x1c4: {  	v16 =	vld [tilespmem:s29+$0x76C0]  }
0x1c5: {  	v17 =	vsub.s32 v12, v0  }
0x1c6: {  	vm1 =	vlt.u32 v17, v2;
	v13 =	vsub.s32 v13, v0  }
0x1c7: {  	vm2 =	vlt.u32 v13, v2;
	v14 =	vsub.s32 v14, v0  }
0x1c8: {  	vm3 =	vlt.u32 v14, v2;
	v15 =	vsub.s32 v15, v0  }
0x1c9: {  	vm4 =	vlt.u32 v15, v2;
	v12 =	vsub.s32 v16, v0  }
0x1ca: {  	vm0 =	vlt.u32 v12, v2  }
.Ltmp8:
0x1cb: {  	(pc) =	sbr.rel @p1 .LBB2_18-.Ltmp8, $4  }
0x1cc: {  	v16 =	vadd.s32 $0x10, v11;
	[tilespmem:v17+s20+$0x0] =	vst.idx.msk vm1, v11  }
0x1cd: {  	v17 =	vadd.s32 $0x20, v11;
	[tilespmem:v13+s20+$0x0] =	vst.idx.msk vm2, v16  }
0x1ce: {  	v16 =	vadd.s32 $0x30, v11;
	[tilespmem:v14+s20+$0x0] =	vst.idx.msk vm3, v17  }
0x1cf: {  	v13 =	vadd.s32 $0x40, v11;
	[tilespmem:v15+s20+$0x0] =	vst.idx.msk vm4, v16  }
0x1d0: {  	_ =	sdelay $0x4  }
0x1d1: {  	s26 =	sshra.s32 s28, $0x2;
	[tilespmem:v12+s20+$0x0] =	vst.idx.msk vm0, v13  }
0x1d2: {  	v12 =	vld [tilespmem:s26+$0x7680]  }
0x1d3: {  	v13 =	vld [tilespmem:s26+$0x7690]  }
0x1d4: {  	v14 =	vld [tilespmem:s26+$0x76A0]  }
0x1d5: {  	v15 =	vld [tilespmem:s26+$0x76B0]  }
0x1d6: {  	v16 =	vld [tilespmem:s26+$0x76C0]  }
0x1d7: {  	v12 =	vsub.s32 v12, v0  }
0x1d8: {  	v13 =	vsub.s32 v13, v0;
	vm0 =	vlt.u32 v12, v2  }
0x1d9: {  	v14 =	vsub.s32 v14, v0;
	vm1 =	vlt.u32 v13, v2  }
0x1da: {  	v15 =	vsub.s32 v15, v0;
	vm2 =	vlt.u32 v14, v2  }
0x1db: {  	v16 =	vsub.s32 v16, v0;
	vm3 =	vlt.u32 v15, v2  }
0x1dc: {  	vm4 =	vlt.u32 v16, v2  }
0x1dd: {  	v11 =	vadd.s32 $0x50, v11  }
0x1de: {  	v17 =	vadd.s32 $0x10, v11;
	[tilespmem:v12+s20+$0x0] =	vst.idx.msk vm0, v11  }
0x1df: {  	v12 =	vadd.s32 $0x20, v11;
	[tilespmem:v13+s20+$0x0] =	vst.idx.msk vm1, v17  }
0x1e0: {  	v13 =	vadd.s32 $0x30, v11;
	[tilespmem:v14+s20+$0x0] =	vst.idx.msk vm2, v12  }
0x1e1: {  	v11 =	vadd.s32 $0x40, v11;
	[tilespmem:v15+s20+$0x0] =	vst.idx.msk vm3, v13  }
0x1e2: {  	[tilespmem:v16+s20+$0x0] =	vst.idx.msk vm4, v11  }
0x1e3: {  	_ =	swait.ge [sflag:s18], $0x2710  }
0x1e4: {  	[sflag:s18] =	ssyncset.done $0x0  }
0x1e5: {  	s31 =	simm.s32 $0x0;
	[sflag:s18] =	ssyncadd.s32 $0xFFFFD8F0  }
0x1e6: {  	v11 =	vld [tilespmem:s31+$0x0]  }
0x1e7: {  	v12 =	vld [tilespmem:s31+$0x10];
	_ =	sdelay $0x3  }
0x1e8: {  	v13 =	vld [tilespmem:s31+$0x20];
	v15 =	vsub.s32 v11, v0  }
0x1e9: {  	v14 =	vld [tilespmem:s31+$0x30];
	v12 =	vsub.s32 v12, v0;
	vm0 =	vlt.u32 v15, v2  }
0x1ea: {  	vm1 =	vlt.u32 v12, v2  }
0x1eb: {  	v61 =	vld [tilespmem:s31+$0x40];
	_ =	sdelay $0x1  }
0x1ec: {  	v13 =	vsub.s32 v13, v0  }
0x1ed: {  	v14 =	vsub.s32 v14, v0;
	v11 =	vor.u32 $0x13880, v1;
	vm2 =	vlt.u32 v13, v2  }
0x1ee: {  	vm3 =	vlt.u32 v14, v2;
	v62 =	vadd.s32 $0x10, v11;
	[tilespmem:v15+s20+$0x0] =	vst.idx.msk vm0, v11  }
0x1ef: {  	[tilespmem:v12+s20+$0x0] =	vst.idx.msk vm1, v62;
	v12 =	vsub.s32 v61, v0  }
0x1f0: {  	vm0 =	vlt.u32 v12, v2;
	_ =	sdelay $0x1  }
0x1f1: {  	v15 =	vadd.s32 $0x20, v11  }
0x1f2: {  	v63 =	vadd.s32 $0x30, v11;
	[tilespmem:v13+s20+$0x0] =	vst.idx.msk vm2, v15  }
0x1f3: {  	s28 =	simm.s32 $0x140;
	s26 =	simm.s32 $0x280;
	v13 =	vadd.s32 $0x40, v11;
	[tilespmem:v14+s20+$0x0] =	vst.idx.msk vm3, v63  }
.LBB2_20:
0x1f4: {  	p1 =	sne.s32 s26, $0x9B00  }
0x1f5: {  	s29 =	sshra.s32 s28, $0x2;
	v11 =	vadd.s32 $0x50, v11;
	[tilespmem:v12+s20+$0x0] =	vst.idx.msk vm0, v13;
	s28 =	smov.u32 s26;
	s26 =	sadd.s32 $0x140, s26  }
0x1f6: {  	v12 =	vld [tilespmem:s29+$0x0]  }
0x1f7: {  	v13 =	vld [tilespmem:s29+$0x10]  }
0x1f8: {  	v14 =	vld [tilespmem:s29+$0x20]  }
0x1f9: {  	v15 =	vld [tilespmem:s29+$0x30]  }
0x1fa: {  	v16 =	vld [tilespmem:s29+$0x40]  }
0x1fb: {  	v17 =	vsub.s32 v12, v0  }
0x1fc: {  	vm1 =	vlt.u32 v17, v2;
	v13 =	vsub.s32 v13, v0  }
0x1fd: {  	vm2 =	vlt.u32 v13, v2;
	v14 =	vsub.s32 v14, v0  }
0x1fe: {  	vm3 =	vlt.u32 v14, v2;
	v15 =	vsub.s32 v15, v0  }
0x1ff: {  	vm4 =	vlt.u32 v15, v2;
	v12 =	vsub.s32 v16, v0  }
0x200: {  	vm0 =	vlt.u32 v12, v2  }
.Ltmp9:
0x201: {  	(pc) =	sbr.rel @p1 .LBB2_20-.Ltmp9, $4  }
0x202: {  	v16 =	vadd.s32 $0x10, v11;
	[tilespmem:v17+s20+$0x0] =	vst.idx.msk vm1, v11  }
0x203: {  	v17 =	vadd.s32 $0x20, v11;
	[tilespmem:v13+s20+$0x0] =	vst.idx.msk vm2, v16  }
0x204: {  	v16 =	vadd.s32 $0x30, v11;
	[tilespmem:v14+s20+$0x0] =	vst.idx.msk vm3, v17  }
0x205: {  	v13 =	vadd.s32 $0x40, v11;
	[tilespmem:v15+s20+$0x0] =	vst.idx.msk vm4, v16  }
0x206: {  	_ =	sdelay $0x4  }
0x207: {  	s26 =	sshra.s32 s28, $0x2;
	[tilespmem:v12+s20+$0x0] =	vst.idx.msk vm0, v13  }
0x208: {  	v12 =	vld [tilespmem:s26+$0x0]  }
0x209: {  	v13 =	vld [tilespmem:s26+$0x10]  }
0x20a: {  	v14 =	vld [tilespmem:s26+$0x20]  }
0x20b: {  	v15 =	vld [tilespmem:s26+$0x30]  }
0x20c: {  	v16 =	vld [tilespmem:s26+$0x40]  }
0x20d: {  	v12 =	vsub.s32 v12, v0  }
0x20e: {  	v13 =	vsub.s32 v13, v0;
	vm0 =	vlt.u32 v12, v2  }
0x20f: {  	v14 =	vsub.s32 v14, v0;
	vm1 =	vlt.u32 v13, v2  }
0x210: {  	v15 =	vsub.s32 v15, v0;
	vm2 =	vlt.u32 v14, v2  }
0x211: {  	v16 =	vsub.s32 v16, v0;
	vm3 =	vlt.u32 v15, v2  }
0x212: {  	vm4 =	vlt.u32 v16, v2  }
0x213: {  	v11 =	vadd.s32 $0x50, v11  }
0x214: {  	v17 =	vadd.s32 $0x10, v11;
	[tilespmem:v12+s20+$0x0] =	vst.idx.msk vm0, v11  }
0x215: {  	v12 =	vadd.s32 $0x20, v11;
	[tilespmem:v13+s20+$0x0] =	vst.idx.msk vm1, v17  }
0x216: {  	v13 =	vadd.s32 $0x30, v11;
	[tilespmem:v14+s20+$0x0] =	vst.idx.msk vm2, v12  }
0x217: {  	v11 =	vadd.s32 $0x40, v11;
	[tilespmem:v15+s20+$0x0] =	vst.idx.msk vm3, v13  }
0x218: {  	[tilespmem:v16+s20+$0x0] =	vst.idx.msk vm4, v11  }
0x219: {  	_ =	swait.ge [sflag:s21], $0x2710  }
0x21a: {  	[sflag:s21] =	ssyncset.done $0x0  }
0x21b: {  	s31 =	simm.s32 $0x0;
	[sflag:s21] =	ssyncadd.s32 $0xFFFFD8F0  }
0x21c: {  	v11 =	vld [tilespmem:s31+$0x2780]  }
0x21d: {  	v12 =	vld [tilespmem:s31+$0x2790];
	_ =	sdelay $0x3  }
0x21e: {  	v13 =	vld [tilespmem:s31+$0x27A0];
	v15 =	vsub.s32 v11, v0  }
0x21f: {  	v14 =	vld [tilespmem:s31+$0x27B0];
	v12 =	vsub.s32 v12, v0;
	vm0 =	vlt.u32 v15, v2  }
0x220: {  	vm1 =	vlt.u32 v12, v2  }
0x221: {  	v61 =	vld [tilespmem:s31+$0x27C0];
	_ =	sdelay $0x1  }
0x222: {  	v13 =	vsub.s32 v13, v0  }
0x223: {  	v14 =	vsub.s32 v14, v0;
	v11 =	vor.u32 $0x15F90, v1;
	vm2 =	vlt.u32 v13, v2  }
0x224: {  	vm3 =	vlt.u32 v14, v2;
	v62 =	vadd.s32 $0x10, v11;
	[tilespmem:v15+s20+$0x0] =	vst.idx.msk vm0, v11  }
0x225: {  	[tilespmem:v12+s20+$0x0] =	vst.idx.msk vm1, v62;
	v12 =	vsub.s32 v61, v0  }
0x226: {  	vm0 =	vlt.u32 v12, v2;
	_ =	sdelay $0x1  }
0x227: {  	v15 =	vadd.s32 $0x20, v11  }
0x228: {  	v63 =	vadd.s32 $0x30, v11;
	[tilespmem:v13+s20+$0x0] =	vst.idx.msk vm2, v15  }
0x229: {  	s28 =	simm.s32 $0x140;
	s26 =	simm.s32 $0x280;
	v13 =	vadd.s32 $0x40, v11;
	[tilespmem:v14+s20+$0x0] =	vst.idx.msk vm3, v63  }
.LBB2_22:
0x22a: {  	p1 =	sne.s32 s26, $0x9B00  }
0x22b: {  	s29 =	sshra.s32 s28, $0x2;
	v11 =	vadd.s32 $0x50, v11;
	[tilespmem:v12+s20+$0x0] =	vst.idx.msk vm0, v13;
	s28 =	smov.u32 s26;
	s26 =	sadd.s32 $0x140, s26  }
0x22c: {  	v12 =	vld [tilespmem:s29+$0x2780]  }
0x22d: {  	v13 =	vld [tilespmem:s29+$0x2790]  }
0x22e: {  	v14 =	vld [tilespmem:s29+$0x27A0]  }
0x22f: {  	v15 =	vld [tilespmem:s29+$0x27B0]  }
0x230: {  	v16 =	vld [tilespmem:s29+$0x27C0]  }
0x231: {  	v17 =	vsub.s32 v12, v0  }
0x232: {  	vm1 =	vlt.u32 v17, v2;
	v13 =	vsub.s32 v13, v0  }
0x233: {  	vm2 =	vlt.u32 v13, v2;
	v14 =	vsub.s32 v14, v0  }
0x234: {  	vm3 =	vlt.u32 v14, v2;
	v15 =	vsub.s32 v15, v0  }
0x235: {  	vm4 =	vlt.u32 v15, v2;
	v12 =	vsub.s32 v16, v0  }
0x236: {  	vm0 =	vlt.u32 v12, v2  }
.Ltmp10:
0x237: {  	(pc) =	sbr.rel @p1 .LBB2_22-.Ltmp10, $4  }
0x238: {  	v16 =	vadd.s32 $0x10, v11;
	[tilespmem:v17+s20+$0x0] =	vst.idx.msk vm1, v11  }
0x239: {  	v17 =	vadd.s32 $0x20, v11;
	[tilespmem:v13+s20+$0x0] =	vst.idx.msk vm2, v16  }
0x23a: {  	v16 =	vadd.s32 $0x30, v11;
	[tilespmem:v14+s20+$0x0] =	vst.idx.msk vm3, v17  }
0x23b: {  	v13 =	vadd.s32 $0x40, v11;
	[tilespmem:v15+s20+$0x0] =	vst.idx.msk vm4, v16  }
0x23c: {  	_ =	sdelay $0x4  }
0x23d: {  	s26 =	sshra.s32 s28, $0x2;
	[tilespmem:v12+s20+$0x0] =	vst.idx.msk vm0, v13  }
0x23e: {  	v12 =	vld [tilespmem:s26+$0x2780]  }
0x23f: {  	v13 =	vld [tilespmem:s26+$0x2790]  }
0x240: {  	v14 =	vld [tilespmem:s26+$0x27A0]  }
0x241: {  	v15 =	vld [tilespmem:s26+$0x27B0]  }
0x242: {  	v16 =	vld [tilespmem:s26+$0x27C0]  }
0x243: {  	v12 =	vsub.s32 v12, v0  }
0x244: {  	v13 =	vsub.s32 v13, v0;
	vm15 =	vlt.u32 v12, v2  }
0x245: {  	v14 =	vsub.s32 v14, v0;
	vm1 =	vlt.u32 v13, v2  }
0x246: {  	v15 =	vsub.s32 v15, v0;
	vm2 =	vlt.u32 v14, v2  }
0x247: {  	v16 =	vsub.s32 v16, v0;
	vm3 =	vlt.u32 v15, v2  }
0x248: {  	vm4 =	vlt.u32 v16, v2  }
0x249: {  	v11 =	vadd.s32 $0x50, v11  }
0x24a: {  	v17 =	vadd.s32 $0x10, v11;
	[tilespmem:v12+s20+$0x0] =	vst.idx.msk vm15, v11  }
0x24b: {  	v62 =	vadd.s32 $0x20, v11;
	[tilespmem:v13+s20+$0x0] =	vst.idx.msk vm1, v17  }
0x24c: {  	v63 =	vadd.s32 $0x30, v11;
	[tilespmem:v14+s20+$0x0] =	vst.idx.msk vm2, v62  }
0x24d: {  	v11 =	vadd.s32 $0x40, v11;
	[tilespmem:v15+s20+$0x0] =	vst.idx.msk vm3, v63  }
0x24e: {  	[tilespmem:v16+s20+$0x0] =	vst.idx.msk vm4, v11  }
0x24f: {  	[hbm4b:s13+s3] =	stream.linear.scatter [tilespmem:s20], [sflag:$0x5], $0x7A10, $0x38;
	[tilespmem:$0x11880] =	vst v63  }
0x250: {  	_ =	swait.ge [sflag:s24], $0x7A10  }
0x251: {  	s28 =	simm.s32 @!p0 $0x11810;
	s25 =	sadd.s32 $0x1, s25;
	[sflag:s24] =	ssyncset.done $0x0  }
0x252: {  	s26 =	simm.s32 @!p0 $0x0;
	p1 =	sne.s32 s25, s15;
	[sflag:s24] =	ssyncadd.s32 $0xFFFF85F0  }
0x253: {  	[hbm4b:s14+s26] =	stream.linear.scatter @!p0 [tilespmem:s28], [sflag:$0x5], $0x40, $0x38;
	[tilespmem:$0x11880] =	vst v63  }
.Ltmp11:
0x254: {  	_ = 	snop;
	(pc) =	sbr.rel @p1 .LBB2_1-.Ltmp11, $4  }
0x255: {  	s26 =	simm.s32 @!p0 $0x5  }
0x256: {  	_ =	swait.ge @!p0 [sflag:s26], $0x40  }
0x257: {  	[sflag:s26] =	ssyncset.done @!p0 $0x0  }
0x258: {  	[sflag:s26] =	ssyncadd.s32 @!p0 $0xFFFFFFC0  }
0x259: {  	_ =	sfence.sel $0x180000  }
0x25a: {  	[bflag:$0x0] =	sbarrier.arrive $0xFFFF  }
0x25b: {  	p0 =	sne.s32 s2, $0x0;
	_ =	strace $0x90000047  }
0x25c: {  	s0 =	sadd.s32 @!p0 $0x100000, s0;
	[bflag:$0x2] =	sbarrier.arrive $0xFFFF  }
0x25d: {  	[sflag:s0] =	ssyncadd.tile.s32 @!p0 $0x1;
	_ =	shalt  }
.Lfunc_end2:
_tile_overlayer_lowered:
.L_overlay_start_2:
0x25e: {  	(tag) =	ssettag $0x2  }
0x25f: {  	s0 =	rddreg [dreg:$0x0];
	s2 =	stileid.u32  }
0x260: {  	s1 =	rddreg [dreg:$0x1];
	p0 =	sne.s32 s2, $0x0  }
0x261: {  	s3 =	rddreg [dreg:$0x2];
	[bflag:$0x3] =	sbarrier.arrive $0xFFFF;
	s2 =	simm.s32 @!p0 $0x1C05  }
0x262: {  	[timem:s3], [sflag:s2] =	dma.local @!p0 [hbm:s0], s1  }
0x263: {  	s0 =	simm.s32 @!p0 $0x5  }
0x264: {  	_ =	swait.ge @!p0 [sflag:s0], s1  }
0x265: {  	s1 =	ssub.s32 @!p0 $0x0, s1;
	[sflag:s0] =	ssyncset.done @!p0 $0x0  }
0x266: {  	[sflag:s0] =	ssyncadd.s32 @!p0 s1  }
0x267: {  	[bflag:$0x3] =	sbarrier.arrive $0xFFFF  }
0x268: {  	_ =	shalt  }

</sc_bundles>
